<compile_context>
chip_gen: v7x
topology: tpu7x:2x2x1
jax: 0.10.2.dev20260603
libtpu: 0.0.44.dev20260713+nightly
codegen_flags: <defaults>
</compile_context>

<pallas_src>
import functools

import jax
import jax.numpy as jnp
from jax import lax
from jax.experimental import pallas as pl
from jax.experimental.pallas import tpu as pltpu
from jax.experimental.pallas import tpu_sc as plsc

N_NODES = 10000
N_EDGES = 320000
D = 128

NC = 2
NS = 16
NW = NC * NS
EPT = N_EDGES // NW
CH = 80
NCH = EPT // CH
N_PAD = 10240
RPT = N_PAD // NS
ZROWS = 128
NBUF = 8

_sc_mesh = plsc.VectorSubcoreMesh(core_axis_name="c", subcore_axis_name="s")


def _sage_agg_body(with_hist, xb_hbm, src_hbm, dst_hbm, *refs):
    if with_hist:
        (agg_out, hist_out, src_v, dst_v, rows_v, zbuf_v, hist_v,
         acc_sh, sem, sem2) = refs
    else:
        agg_out, src_v, dst_v, rows_v, zbuf_v, acc_sh, sem, sem2 = refs
        hist_out = hist_v = None
    c = lax.axis_index("c")
    s = lax.axis_index("s")
    wid = s * NC + c

    pltpu.sync_copy(src_hbm.at[wid], src_v)
    pltpu.sync_copy(dst_hbm.at[wid], dst_v)

    zeros32 = jnp.zeros((32,), jnp.bfloat16)

    def zrow(i, carry):
        for k in range(D // 32):
            zbuf_v[i, pl.ds(k * 32, 32)] = zeros32
        return carry

    lax.fori_loop(0, ZROWS, zrow, 0)
    if with_hist:
        zeros16 = jnp.zeros((16,), jnp.float32)

        def zhist(i, carry):
            hist_v[pl.ds(i * 16, 16)] = zeros16
            return carry

        lax.fori_loop(0, N_PAD // 16, zhist, 0)

    for r in range(RPT // ZROWS):
        pltpu.sync_copy(zbuf_v, acc_sh.at[pl.ds(s * RPT + r * ZROWS, ZROWS)])
    plsc.subcore_barrier()

    ones16 = jnp.ones((16,), jnp.float32)

    for b in range(NBUF):
        pltpu.async_copy(xb_hbm.at[src_v.at[b]], rows_v.at[b], sem)

    def step(j, carry):
        b = lax.rem(j, NBUF)
        pltpu.make_async_copy(xb_hbm.at[src_v.at[j]],
                              rows_v.at[b], sem).wait()
        pltpu.async_copy(rows_v.at[b], acc_sh.at[dst_v.at[j]], sem2, add=True)
        if with_hist:
            for k in range(CH // 16):
                idx = dst_v[j, pl.ds(k * 16, 16)]
                plsc.addupdate_scatter(hist_v, [idx], ones16)

        bp = lax.rem(j + NBUF - 1, NBUF)

        @pl.when(j >= 1)
        def _():
            pltpu.make_async_copy(rows_v.at[bp],
                                  acc_sh.at[dst_v.at[j - 1]], sem2).wait()

            @pl.when(j - 1 + NBUF < NCH)
            def _():
                pltpu.async_copy(xb_hbm.at[src_v.at[j - 1 + NBUF]],
                                 rows_v.at[bp], sem)

        return carry

    lax.fori_loop(0, NCH, step, 0)
    pltpu.make_async_copy(rows_v.at[lax.rem(NCH - 1, NBUF)],
                          acc_sh.at[dst_v.at[NCH - 1]], sem2).wait()
    plsc.subcore_barrier()

    pltpu.sync_copy(acc_sh.at[pl.ds(s * RPT, RPT)],
                    agg_out.at[c, pl.ds(s * RPT, RPT)])
    if with_hist:
        pltpu.sync_copy(hist_v, hist_out.at[wid])


def _make_sc_agg(with_hist):
    out_type = [jax.ShapeDtypeStruct((NC, N_PAD, D), jnp.bfloat16)]
    scratch = [
        pltpu.VMEM((NCH, CH), jnp.int32),
        pltpu.VMEM((NCH, CH), jnp.int32),
        pltpu.VMEM((NBUF, CH, D), jnp.bfloat16),
        pltpu.VMEM((ZROWS, D), jnp.bfloat16),
    ]
    if with_hist:
        out_type.append(jax.ShapeDtypeStruct((NW, N_PAD), jnp.float32))
        scratch.append(pltpu.VMEM((N_PAD,), jnp.float32))
    scratch.append(pltpu.VMEM_SHARED((N_PAD, D), jnp.bfloat16))
    scratch.append(pltpu.SemaphoreType.DMA)
    scratch.append(pltpu.SemaphoreType.DMA)
    return pl.kernel(
        functools.partial(_sage_agg_body, with_hist),
        out_type=out_type,
        mesh=_sc_mesh,
        scratch_types=scratch,
        compiler_params=pltpu.CompilerParams(needs_layout_passes=False,
                                             use_tc_tiling_on_sc=False),
    )


_sc_agg_hist = _make_sc_agg(True)
_sc_agg = _make_sc_agg(False)


def _dense1_body(x_ref, agg_ref, hist_ref, wl_ref, wr_ref, b_ref, hb_ref):
    cnt = jnp.sum(hist_ref[...], axis=0)
    inv = 1.0 / jnp.maximum(cnt, 1.0)
    agg = (agg_ref[0].astype(jnp.float32) + agg_ref[1].astype(jnp.float32))
    mean = agg * inv[:, None]
    h = (jnp.dot(mean, wl_ref[...], preferred_element_type=jnp.float32)
         + b_ref[...]
         + jnp.dot(x_ref[...], wr_ref[...], preferred_element_type=jnp.float32))
    hb_ref[...] = jnp.maximum(h, 0.0).astype(jnp.bfloat16)


def _dense2_body(h_ref, agg_ref, hist_ref, wl_ref, wr_ref, b_ref, w3_ref,
                 b3_ref, o_ref):
    cnt = jnp.sum(hist_ref[...], axis=0)
    inv = 1.0 / jnp.maximum(cnt, 1.0)
    agg = (agg_ref[0].astype(jnp.float32) + agg_ref[1].astype(jnp.float32))
    mean = agg * inv[:, None]
    h2 = (jnp.dot(mean, wl_ref[...], preferred_element_type=jnp.float32)
          + b_ref[...]
          + jnp.dot(h_ref[...], wr_ref[...], preferred_element_type=jnp.float32))
    h2 = jnp.maximum(h2, 0.0)
    o_ref[...] = jnp.sum(h2 * w3_ref[...], axis=1, keepdims=True) + b3_ref[0, 0]


_R = 1024
_GRID = N_PAD // _R

_row_spec = pl.BlockSpec((_R, D), lambda i: (i, 0))
_agg_spec = pl.BlockSpec((NC, _R, D), lambda i: (0, i, 0))
_hist_spec = pl.BlockSpec((NW, _R), lambda i: (0, i))
_full = pl.BlockSpec((D, D), lambda i: (0, 0))
_bias_spec = pl.BlockSpec((1, D), lambda i: (0, 0))

_dense1 = pl.pallas_call(
    _dense1_body,
    grid=(_GRID,),
    in_specs=[_row_spec, _agg_spec, _hist_spec, _full, _full, _bias_spec],
    out_specs=_row_spec,
    out_shape=jax.ShapeDtypeStruct((N_NODES, D), jnp.bfloat16),
)

_dense2 = pl.pallas_call(
    _dense2_body,
    grid=(_GRID,),
    in_specs=[_row_spec, _agg_spec, _hist_spec, _full, _full, _bias_spec,
              _bias_spec, pl.BlockSpec((1, 1), lambda i: (0, 0))],
    out_specs=pl.BlockSpec((_R, 1), lambda i: (i, 0)),
    out_shape=jax.ShapeDtypeStruct((N_NODES, 1), jnp.float32),
)


def kernel(x, edge_index, W1_l, W1_r, b1, W2_l, W2_r, b2, W3, b3):
    src = edge_index[0].astype(jnp.int32).reshape(NW, NCH, CH)
    dst = edge_index[1].astype(jnp.int32).reshape(NW, NCH, CH)
    xb = x.astype(jnp.bfloat16)

    agg1, hist = _sc_agg_hist(xb, src, dst)
    hb = _dense1(x, agg1, hist, W1_l.T, W1_r.T, b1.reshape(1, D))
    (agg2,) = _sc_agg(hb, src, dst)
    out = _dense2(hb, agg2, hist, W2_l.T, W2_r.T, b2.reshape(1, D),
                  W3, b3.reshape(1, 1))
    return out

# --- scband reference (transcript-rebuilt; emitter-appended) ---
"""Pipeline reference for scband-graph-sage-5660766896615 (READ-ONLY COPY).

The authoritative reference and input builder live on the scoring server;
editing this copy changes nothing except your own understanding.
"""

import jax, jax.numpy as jnp
import numpy as np

N_NODES = 10000
N_EDGES = 320000
D_IN = 128
D_HID = 128


def setup_inputs(seed: int = 0) -> dict:
    key = jax.random.key(seed)
    ks = jax.random.split(key, 12)
    x = jax.random.normal(ks[0], (N_NODES, D_IN), dtype=jnp.float32)
    edge_index = jax.random.randint(ks[1], (2, N_EDGES), 0, N_NODES, dtype=jnp.int64)
    s1 = 1.0 / np.sqrt(D_IN)
    s2 = 1.0 / np.sqrt(D_HID)
    W1_l = jax.random.uniform(ks[2], (D_HID, D_IN), jnp.float32, -s1, s1)
    W1_r = jax.random.uniform(ks[3], (D_HID, D_IN), jnp.float32, -s1, s1)
    b1 = jax.random.uniform(ks[4], (D_HID,), jnp.float32, -s1, s1)
    W2_l = jax.random.uniform(ks[5], (D_HID, D_HID), jnp.float32, -s2, s2)
    W2_r = jax.random.uniform(ks[6], (D_HID, D_HID), jnp.float32, -s2, s2)
    b2 = jax.random.uniform(ks[7], (D_HID,), jnp.float32, -s2, s2)
    W3 = jax.random.uniform(ks[8], (1, D_HID), jnp.float32, -s2, s2)
    b3 = jax.random.uniform(ks[9], (1,), jnp.float32, -s2, s2)
    return {"x": x, "edge_index": edge_index, "W1_l": W1_l, "W1_r": W1_r, "b1": b1,
            "W2_l": W2_l, "W2_r": W2_r, "b2": b2, "W3": W3, "b3": b3}


def _sage_conv(x, edge_index, W_l, W_r, b):
    src = edge_index[0]
    dst = edge_index[1]
    msgs = jnp.take(x, src, axis=0)
    agg = jax.ops.segment_sum(msgs, dst, num_segments=N_NODES)
    cnt = jax.ops.segment_sum(jnp.ones((msgs.shape[0],), dtype=x.dtype), dst, num_segments=N_NODES)
    mean_agg = agg / jnp.maximum(cnt, 1.0)[:, None]
    return mean_agg @ W_l.T + b, None


def reference(x, edge_index, W1_l, W1_r, b1, W2_l, W2_r, b2, W3, b3):
    src = edge_index[0]
    dst = edge_index[1]
    ones = jnp.ones((src.shape[0],), dtype=x.dtype)
    cnt = jax.ops.segment_sum(ones, dst, num_segments=N_NODES)
    inv_cnt = 1.0 / jnp.maximum(cnt, 1.0)

    # conv1
    msgs = jnp.take(x, src, axis=0)
    agg = jax.ops.segment_sum(msgs, dst, num_segments=N_NODES)
    mean_agg = agg * inv_cnt[:, None]
    h = mean_agg @ W1_l.T + b1 + x @ W1_r.T
    h = jax.nn.relu(h)

    # conv2
    msgs2 = jnp.take(h, src, axis=0)
    agg2 = jax.ops.segment_sum(msgs2, dst, num_segments=N_NODES)
    mean_agg2 = agg2 * inv_cnt[:, None]
    h2 = mean_agg2 @ W2_l.T + b2 + h @ W2_r.T
    h2 = jax.nn.relu(h2)

    # final linear
    out = h2 @ W3.T + b3
    return out

if __name__ == "__main__":
    import jax
    _d = setup_inputs()
    print(jax.jit(kernel)(*tuple(_d.values())))

</pallas_src>

<mosaic_0001>
#map = affine_map<(d0, d1) -> (0, 0)>
#map1 = affine_map<(d0, d1) -> (0, 0, 0)>
module attributes {stable_mosaic.version = 14 : i64} {
  func.func @_sage_agg_body(%arg0: i32, %arg1: i32, %arg2: memref<10000x128xbf16, #tpu.memory_space<hbm>>, %arg3: memref<32x125x80xi32, #tpu.memory_space<hbm>>, %arg4: memref<32x125x80xi32, #tpu.memory_space<hbm>>, %arg5: memref<2x10240x128xbf16, #tpu.memory_space<hbm>>, %arg6: memref<125x80xi32, #tpu.memory_space<vmem>>, %arg7: memref<125x80xi32, #tpu.memory_space<vmem>>, %arg8: memref<8x80x128xbf16, #tpu.memory_space<vmem>>, %arg9: memref<128x128xbf16, #tpu.memory_space<vmem>>, %arg10: memref<10240x128xbf16, #tpu.memory_space<vmem_shared>>, %arg11: memref<!tpu.dma_semaphore, #tpu.memory_space<semaphore_mem>>, %arg12: memref<!tpu.dma_semaphore, #tpu.memory_space<semaphore_mem>>) attributes {dimension_semantics = [#tpu.dimension_semantics<core_parallel>, #tpu.dimension_semantics<subcore_parallel>], iteration_bounds = array<i64: 2, 16>, scalar_prefetch = 0 : i64, scratch_operands = 7 : i64, tpu.core_type = #tpu.core_type<sc_vector_subcore>, window_params = [{transform_indices = #map}, {transform_indices = #map1}, {transform_indices = #map1}, {transform_indices = #map1}]} {
    %mul3A = arith.constant 2 : i32
    %mul3A_0 = arith.muli %arg1, %mul3A : i32
    %add3A = arith.addi %mul3A_0, %arg0 : i32
    "tpu.region"() ({
      %run_scoped3A = tpu.sem_alloc : memref<!tpu.dma_semaphore, #tpu.memory_space<semaphore_mem>>
      %dma_start3A_147 = arith.constant 0 : i32
      %dma_start3A_148 = arith.constant 0 : i32
      %dma_start3A_149 = tpu.memref_slice %arg3[%add3A, %dma_start3A_147, %dma_start3A_148] : memref<32x125x80xi32, #tpu.memory_space<hbm>> -> memref<1x125x80xi32, #tpu.memory_space<hbm>>
      %dma_start3A_150 = tpu.memref_squeeze %dma_start3A_149 : memref<1x125x80xi32, #tpu.memory_space<hbm>> -> memref<125x80xi32, #tpu.memory_space<hbm>>
      %dma_start3A_151 = arith.constant 0 : i32
      %dma_start3A_152 = arith.constant 0 : i32
      %dma_start3A_153 = tpu.memref_slice %arg3[%add3A, %dma_start3A_151, %dma_start3A_152] : memref<32x125x80xi32, #tpu.memory_space<hbm>> -> memref<1x125x80xi32, #tpu.memory_space<hbm>>
      %dma_start3A_154 = tpu.memref_squeeze %dma_start3A_153 : memref<1x125x80xi32, #tpu.memory_space<hbm>> -> memref<125x80xi32, #tpu.memory_space<hbm>>
      tpu.enqueue_dma source(%dma_start3A_154 : memref<125x80xi32, #tpu.memory_space<hbm>>) target(%arg6 : memref<125x80xi32, #tpu.memory_space<vmem>>) target_semaphore(%run_scoped3A : memref<!tpu.dma_semaphore, #tpu.memory_space<semaphore_mem>>)
      %dma_wait3A_155 = arith.constant 0 : i32
      %dma_wait3A_156 = arith.constant 0 : i32
      %dma_wait3A_157 = tpu.memref_slice %arg3[%add3A, %dma_wait3A_155, %dma_wait3A_156] : memref<32x125x80xi32, #tpu.memory_space<hbm>> -> memref<1x125x80xi32, #tpu.memory_space<hbm>>
      %dma_wait3A_158 = tpu.memref_squeeze %dma_wait3A_157 : memref<1x125x80xi32, #tpu.memory_space<hbm>> -> memref<125x80xi32, #tpu.memory_space<hbm>>
      %dma_wait3A_159 = arith.constant 0 : i32
      %dma_wait3A_160 = arith.constant 0 : i32
      %dma_wait3A_161 = tpu.memref_slice %arg3[%add3A, %dma_wait3A_159, %dma_wait3A_160] : memref<32x125x80xi32, #tpu.memory_space<hbm>> -> memref<1x125x80xi32, #tpu.memory_space<hbm>>
      %dma_wait3A_162 = tpu.memref_squeeze %dma_wait3A_161 : memref<1x125x80xi32, #tpu.memory_space<hbm>> -> memref<125x80xi32, #tpu.memory_space<hbm>>
      tpu.wait_dma2 semaphore(%run_scoped3A : memref<!tpu.dma_semaphore, #tpu.memory_space<semaphore_mem>>) src(%dma_wait3A_162 : memref<125x80xi32, #tpu.memory_space<hbm>>) dst(%arg6 : memref<125x80xi32, #tpu.memory_space<vmem>>)
      tpu.yield
    }) : () -> ()
    "tpu.region"() ({
      %run_scoped3A = tpu.sem_alloc : memref<!tpu.dma_semaphore, #tpu.memory_space<semaphore_mem>>
      %dma_start3A_147 = arith.constant 0 : i32
      %dma_start3A_148 = arith.constant 0 : i32
      %dma_start3A_149 = tpu.memref_slice %arg4[%add3A, %dma_start3A_147, %dma_start3A_148] : memref<32x125x80xi32, #tpu.memory_space<hbm>> -> memref<1x125x80xi32, #tpu.memory_space<hbm>>
      %dma_start3A_150 = tpu.memref_squeeze %dma_start3A_149 : memref<1x125x80xi32, #tpu.memory_space<hbm>> -> memref<125x80xi32, #tpu.memory_space<hbm>>
      %dma_start3A_151 = arith.constant 0 : i32
      %dma_start3A_152 = arith.constant 0 : i32
      %dma_start3A_153 = tpu.memref_slice %arg4[%add3A, %dma_start3A_151, %dma_start3A_152] : memref<32x125x80xi32, #tpu.memory_space<hbm>> -> memref<1x125x80xi32, #tpu.memory_space<hbm>>
      %dma_start3A_154 = tpu.memref_squeeze %dma_start3A_153 : memref<1x125x80xi32, #tpu.memory_space<hbm>> -> memref<125x80xi32, #tpu.memory_space<hbm>>
      tpu.enqueue_dma source(%dma_start3A_154 : memref<125x80xi32, #tpu.memory_space<hbm>>) target(%arg7 : memref<125x80xi32, #tpu.memory_space<vmem>>) target_semaphore(%run_scoped3A : memref<!tpu.dma_semaphore, #tpu.memory_space<semaphore_mem>>)
      %dma_wait3A_155 = arith.constant 0 : i32
      %dma_wait3A_156 = arith.constant 0 : i32
      %dma_wait3A_157 = tpu.memref_slice %arg4[%add3A, %dma_wait3A_155, %dma_wait3A_156] : memref<32x125x80xi32, #tpu.memory_space<hbm>> -> memref<1x125x80xi32, #tpu.memory_space<hbm>>
      %dma_wait3A_158 = tpu.memref_squeeze %dma_wait3A_157 : memref<1x125x80xi32, #tpu.memory_space<hbm>> -> memref<125x80xi32, #tpu.memory_space<hbm>>
      %dma_wait3A_159 = arith.constant 0 : i32
      %dma_wait3A_160 = arith.constant 0 : i32
      %dma_wait3A_161 = tpu.memref_slice %arg4[%add3A, %dma_wait3A_159, %dma_wait3A_160] : memref<32x125x80xi32, #tpu.memory_space<hbm>> -> memref<1x125x80xi32, #tpu.memory_space<hbm>>
      %dma_wait3A_162 = tpu.memref_squeeze %dma_wait3A_161 : memref<1x125x80xi32, #tpu.memory_space<hbm>> -> memref<125x80xi32, #tpu.memory_space<hbm>>
      tpu.wait_dma2 semaphore(%run_scoped3A : memref<!tpu.dma_semaphore, #tpu.memory_space<semaphore_mem>>) src(%dma_wait3A_162 : memref<125x80xi32, #tpu.memory_space<hbm>>) dst(%arg7 : memref<125x80xi32, #tpu.memory_space<vmem>>)
      tpu.yield
    }) : () -> ()
    %broadcast_in_dim3A = arith.constant 0.000000e+00 : bf16
    %broadcast_in_dim3A_1 = vector.broadcast %broadcast_in_dim3A : bf16 to vector<32xbf16>
    %scan3A = arith.constant 0 : i32
    %scan3A_2 = arith.constant 0 : i32
    %scan3A_3 = arith.constant 128 : i32
    %scan3A_4 = arith.addi %scan3A_2, %scan3A_3 : i32
    %scan3A_5 = arith.constant 1 : i32
    scf.for %scan3A_147 = %scan3A_2 to %scan3A_4 step %scan3A_5  : i32 {
      %swap3A = arith.index_cast %scan3A_147 : i32 to index
      %swap3A_148 = arith.constant 0 : index
      %swap3A_149 = tpu.vector_load %arg9[%swap3A, %swap3A_148] {strides = array<i32>} : memref<128x128xbf16, #tpu.memory_space<vmem>>, vector<32xbf16>,
      tpu.vector_store %arg9[%swap3A, %swap3A_148], %broadcast_in_dim3A_1 {strides = array<i32>} : memref<128x128xbf16, #tpu.memory_space<vmem>>, vector<32xbf16>,
      %swap3A_150 = arith.index_cast %scan3A_147 : i32 to index
      %swap3A_151 = arith.constant 32 : index
      %swap3A_152 = tpu.vector_load %arg9[%swap3A_150, %swap3A_151] {strides = array<i32>} : memref<128x128xbf16, #tpu.memory_space<vmem>>, vector<32xbf16>,
      tpu.vector_store %arg9[%swap3A_150, %swap3A_151], %broadcast_in_dim3A_1 {strides = array<i32>} : memref<128x128xbf16, #tpu.memory_space<vmem>>, vector<32xbf16>,
      %swap3A_153 = arith.index_cast %scan3A_147 : i32 to index
      %swap3A_154 = arith.constant 64 : index
      %swap3A_155 = tpu.vector_load %arg9[%swap3A_153, %swap3A_154] {strides = array<i32>} : memref<128x128xbf16, #tpu.memory_space<vmem>>, vector<32xbf16>,
      tpu.vector_store %arg9[%swap3A_153, %swap3A_154], %broadcast_in_dim3A_1 {strides = array<i32>} : memref<128x128xbf16, #tpu.memory_space<vmem>>, vector<32xbf16>,
      %swap3A_156 = arith.index_cast %scan3A_147 : i32 to index
      %swap3A_157 = arith.constant 96 : index
      %swap3A_158 = tpu.vector_load %arg9[%swap3A_156, %swap3A_157] {strides = array<i32>} : memref<128x128xbf16, #tpu.memory_space<vmem>>, vector<32xbf16>,
      tpu.vector_store %arg9[%swap3A_156, %swap3A_157], %broadcast_in_dim3A_1 {strides = array<i32>} : memref<128x128xbf16, #tpu.memory_space<vmem>>, vector<32xbf16>,
    }
    %scan3A_6 = arith.constant 128 : i32
    %mul3A_7 = arith.constant 640 : i32
    %mul3A_8 = arith.muli %arg1, %mul3A_7 : i32
    %add3A_9 = arith.constant 0 : i32
    %add3A_10 = arith.addi %mul3A_8, %add3A_9 : i32
    "tpu.region"() ({
      %run_scoped3A = tpu.sem_alloc : memref<!tpu.dma_semaphore, #tpu.memory_space<semaphore_mem>>
      %dma_start3A_147 = arith.constant 0 : i32
      %dma_start3A_148 = tpu.memref_slice %arg10[%add3A_10, %dma_start3A_147] : memref<10240x128xbf16, #tpu.memory_space<vmem_shared>> -> memref<128x128xbf16, #tpu.memory_space<vmem_shared>>
      %dma_start3A_149 = arith.constant 0 : i32
      %dma_start3A_150 = tpu.memref_slice %arg10[%add3A_10, %dma_start3A_149] : memref<10240x128xbf16, #tpu.memory_space<vmem_shared>> -> memref<128x128xbf16, #tpu.memory_space<vmem_shared>>
      tpu.enqueue_dma source(%arg9 : memref<128x128xbf16, #tpu.memory_space<vmem>>) target(%dma_start3A_150 : memref<128x128xbf16, #tpu.memory_space<vmem_shared>>) target_semaphore(%run_scoped3A : memref<!tpu.dma_semaphore, #tpu.memory_space<semaphore_mem>>)
      %dma_wait3A_151 = arith.constant 0 : i32
      %dma_wait3A_152 = tpu.memref_slice %arg10[%add3A_10, %dma_wait3A_151] : memref<10240x128xbf16, #tpu.memory_space<vmem_shared>> -> memref<128x128xbf16, #tpu.memory_space<vmem_shared>>
      %dma_wait3A_153 = arith.constant 0 : i32
      %dma_wait3A_154 = tpu.memref_slice %arg10[%add3A_10, %dma_wait3A_153] : memref<10240x128xbf16, #tpu.memory_space<vmem_shared>> -> memref<128x128xbf16, #tpu.memory_space<vmem_shared>>
      tpu.wait_dma2 semaphore(%run_scoped3A : memref<!tpu.dma_semaphore, #tpu.memory_space<semaphore_mem>>) src(%arg9 : memref<128x128xbf16, #tpu.memory_space<vmem>>) dst(%dma_wait3A_154 : memref<128x128xbf16, #tpu.memory_space<vmem_shared>>)
      tpu.yield
    }) : () -> ()
    %mul3A_11 = arith.constant 640 : i32
    %mul3A_12 = arith.muli %arg1, %mul3A_11 : i32
    %add3A_13 = arith.constant 128 : i32
    %add3A_14 = arith.addi %mul3A_12, %add3A_13 : i32
    "tpu.region"() ({
      %run_scoped3A = tpu.sem_alloc : memref<!tpu.dma_semaphore, #tpu.memory_space<semaphore_mem>>
      %dma_start3A_147 = arith.constant 0 : i32
      %dma_start3A_148 = tpu.memref_slice %arg10[%add3A_14, %dma_start3A_147] : memref<10240x128xbf16, #tpu.memory_space<vmem_shared>> -> memref<128x128xbf16, #tpu.memory_space<vmem_shared>>
      %dma_start3A_149 = arith.constant 0 : i32
      %dma_start3A_150 = tpu.memref_slice %arg10[%add3A_14, %dma_start3A_149] : memref<10240x128xbf16, #tpu.memory_space<vmem_shared>> -> memref<128x128xbf16, #tpu.memory_space<vmem_shared>>
      tpu.enqueue_dma source(%arg9 : memref<128x128xbf16, #tpu.memory_space<vmem>>) target(%dma_start3A_150 : memref<128x128xbf16, #tpu.memory_space<vmem_shared>>) target_semaphore(%run_scoped3A : memref<!tpu.dma_semaphore, #tpu.memory_space<semaphore_mem>>)
      %dma_wait3A_151 = arith.constant 0 : i32
      %dma_wait3A_152 = tpu.memref_slice %arg10[%add3A_14, %dma_wait3A_151] : memref<10240x128xbf16, #tpu.memory_space<vmem_shared>> -> memref<128x128xbf16, #tpu.memory_space<vmem_shared>>
      %dma_wait3A_153 = arith.constant 0 : i32
      %dma_wait3A_154 = tpu.memref_slice %arg10[%add3A_14, %dma_wait3A_153] : memref<10240x128xbf16, #tpu.memory_space<vmem_shared>> -> memref<128x128xbf16, #tpu.memory_space<vmem_shared>>
      tpu.wait_dma2 semaphore(%run_scoped3A : memref<!tpu.dma_semaphore, #tpu.memory_space<semaphore_mem>>) src(%arg9 : memref<128x128xbf16, #tpu.memory_space<vmem>>) dst(%dma_wait3A_154 : memref<128x128xbf16, #tpu.memory_space<vmem_shared>>)
      tpu.yield
    }) : () -> ()
    %mul3A_15 = arith.constant 640 : i32
    %mul3A_16 = arith.muli %arg1, %mul3A_15 : i32
    %add3A_17 = arith.constant 256 : i32
    %add3A_18 = arith.addi %mul3A_16, %add3A_17 : i32
    "tpu.region"() ({
      %run_scoped3A = tpu.sem_alloc : memref<!tpu.dma_semaphore, #tpu.memory_space<semaphore_mem>>
      %dma_start3A_147 = arith.constant 0 : i32
      %dma_start3A_148 = tpu.memref_slice %arg10[%add3A_18, %dma_start3A_147] : memref<10240x128xbf16, #tpu.memory_space<vmem_shared>> -> memref<128x128xbf16, #tpu.memory_space<vmem_shared>>
      %dma_start3A_149 = arith.constant 0 : i32
      %dma_start3A_150 = tpu.memref_slice %arg10[%add3A_18, %dma_start3A_149] : memref<10240x128xbf16, #tpu.memory_space<vmem_shared>> -> memref<128x128xbf16, #tpu.memory_space<vmem_shared>>
      tpu.enqueue_dma source(%arg9 : memref<128x128xbf16, #tpu.memory_space<vmem>>) target(%dma_start3A_150 : memref<128x128xbf16, #tpu.memory_space<vmem_shared>>) target_semaphore(%run_scoped3A : memref<!tpu.dma_semaphore, #tpu.memory_space<semaphore_mem>>)
      %dma_wait3A_151 = arith.constant 0 : i32
      %dma_wait3A_152 = tpu.memref_slice %arg10[%add3A_18, %dma_wait3A_151] : memref<10240x128xbf16, #tpu.memory_space<vmem_shared>> -> memref<128x128xbf16, #tpu.memory_space<vmem_shared>>
      %dma_wait3A_153 = arith.constant 0 : i32
      %dma_wait3A_154 = tpu.memref_slice %arg10[%add3A_18, %dma_wait3A_153] : memref<10240x128xbf16, #tpu.memory_space<vmem_shared>> -> memref<128x128xbf16, #tpu.memory_space<vmem_shared>>
      tpu.wait_dma2 semaphore(%run_scoped3A : memref<!tpu.dma_semaphore, #tpu.memory_space<semaphore_mem>>) src(%arg9 : memref<128x128xbf16, #tpu.memory_space<vmem>>) dst(%dma_wait3A_154 : memref<128x128xbf16, #tpu.memory_space<vmem_shared>>)
      tpu.yield
    }) : () -> ()
    %mul3A_19 = arith.constant 640 : i32
    %mul3A_20 = arith.muli %arg1, %mul3A_19 : i32
    %add3A_21 = arith.constant 384 : i32
    %add3A_22 = arith.addi %mul3A_20, %add3A_21 : i32
    "tpu.region"() ({
      %run_scoped3A = tpu.sem_alloc : memref<!tpu.dma_semaphore, #tpu.memory_space<semaphore_mem>>
      %dma_start3A_147 = arith.constant 0 : i32
      %dma_start3A_148 = tpu.memref_slice %arg10[%add3A_22, %dma_start3A_147] : memref<10240x128xbf16, #tpu.memory_space<vmem_shared>> -> memref<128x128xbf16, #tpu.memory_space<vmem_shared>>
      %dma_start3A_149 = arith.constant 0 : i32
      %dma_start3A_150 = tpu.memref_slice %arg10[%add3A_22, %dma_start3A_149] : memref<10240x128xbf16, #tpu.memory_space<vmem_shared>> -> memref<128x128xbf16, #tpu.memory_space<vmem_shared>>
      tpu.enqueue_dma source(%arg9 : memref<128x128xbf16, #tpu.memory_space<vmem>>) target(%dma_start3A_150 : memref<128x128xbf16, #tpu.memory_space<vmem_shared>>) target_semaphore(%run_scoped3A : memref<!tpu.dma_semaphore, #tpu.memory_space<semaphore_mem>>)
      %dma_wait3A_151 = arith.constant 0 : i32
      %dma_wait3A_152 = tpu.memref_slice %arg10[%add3A_22, %dma_wait3A_151] : memref<10240x128xbf16, #tpu.memory_space<vmem_shared>> -> memref<128x128xbf16, #tpu.memory_space<vmem_shared>>
      %dma_wait3A_153 = arith.constant 0 : i32
      %dma_wait3A_154 = tpu.memref_slice %arg10[%add3A_22, %dma_wait3A_153] : memref<10240x128xbf16, #tpu.memory_space<vmem_shared>> -> memref<128x128xbf16, #tpu.memory_space<vmem_shared>>
      tpu.wait_dma2 semaphore(%run_scoped3A : memref<!tpu.dma_semaphore, #tpu.memory_space<semaphore_mem>>) src(%arg9 : memref<128x128xbf16, #tpu.memory_space<vmem>>) dst(%dma_wait3A_154 : memref<128x128xbf16, #tpu.memory_space<vmem_shared>>)
      tpu.yield
    }) : () -> ()
    %mul3A_23 = arith.constant 640 : i32
    %mul3A_24 = arith.muli %arg1, %mul3A_23 : i32
    %add3A_25 = arith.constant 512 : i32
    %add3A_26 = arith.addi %mul3A_24, %add3A_25 : i32
    "tpu.region"() ({
      %run_scoped3A = tpu.sem_alloc : memref<!tpu.dma_semaphore, #tpu.memory_space<semaphore_mem>>
      %dma_start3A_147 = arith.constant 0 : i32
      %dma_start3A_148 = tpu.memref_slice %arg10[%add3A_26, %dma_start3A_147] : memref<10240x128xbf16, #tpu.memory_space<vmem_shared>> -> memref<128x128xbf16, #tpu.memory_space<vmem_shared>>
      %dma_start3A_149 = arith.constant 0 : i32
      %dma_start3A_150 = tpu.memref_slice %arg10[%add3A_26, %dma_start3A_149] : memref<10240x128xbf16, #tpu.memory_space<vmem_shared>> -> memref<128x128xbf16, #tpu.memory_space<vmem_shared>>
      tpu.enqueue_dma source(%arg9 : memref<128x128xbf16, #tpu.memory_space<vmem>>) target(%dma_start3A_150 : memref<128x128xbf16, #tpu.memory_space<vmem_shared>>) target_semaphore(%run_scoped3A : memref<!tpu.dma_semaphore, #tpu.memory_space<semaphore_mem>>)
      %dma_wait3A_151 = arith.constant 0 : i32
      %dma_wait3A_152 = tpu.memref_slice %arg10[%add3A_26, %dma_wait3A_151] : memref<10240x128xbf16, #tpu.memory_space<vmem_shared>> -> memref<128x128xbf16, #tpu.memory_space<vmem_shared>>
      %dma_wait3A_153 = arith.constant 0 : i32
      %dma_wait3A_154 = tpu.memref_slice %arg10[%add3A_26, %dma_wait3A_153] : memref<10240x128xbf16, #tpu.memory_space<vmem_shared>> -> memref<128x128xbf16, #tpu.memory_space<vmem_shared>>
      tpu.wait_dma2 semaphore(%run_scoped3A : memref<!tpu.dma_semaphore, #tpu.memory_space<semaphore_mem>>) src(%arg9 : memref<128x128xbf16, #tpu.memory_space<vmem>>) dst(%dma_wait3A_154 : memref<128x128xbf16, #tpu.memory_space<vmem_shared>>)
      tpu.yield
    }) : () -> ()
    %barrier3A = arith.constant 0 : index
    tpu.barrier barrier_id(%barrier3A)
    %broadcast_in_dim3A_27 = arith.constant 1.000000e+00 : f32
    %broadcast_in_dim3A_28 = vector.broadcast %broadcast_in_dim3A_27 : f32 to vector<16xf32>
    %dma_start3A = arith.constant 0 : i32
    %dma_start3A_29 = arith.constant 0 : i32
    %dma_start3A_30 = arith.constant 0 : i32
    %dma_start3A_31 = arith.constant 0 : i32
    %dma_start3A_32 = tpu.memref_slice %arg8[%dma_start3A_29, %dma_start3A_30, %dma_start3A_31] : memref<8x80x128xbf16, #tpu.memory_space<vmem>> -> memref<1x80x128xbf16, #tpu.memory_space<vmem>>
    %dma_start3A_33 = tpu.memref_squeeze %dma_start3A_32 : memref<1x80x128xbf16, #tpu.memory_space<vmem>> -> memref<80x128xbf16, #tpu.memory_space<vmem>>
    %dma_start3A_34 = arith.constant 0 : i32
    %dma_start3A_35 = tpu.memref_slice %arg6[%dma_start3A, %dma_start3A_34] : memref<125x80xi32, #tpu.memory_space<vmem>> -> memref<1x80xi32, #tpu.memory_space<vmem>>
    %dma_start3A_36 = tpu.memref_squeeze %dma_start3A_35 : memref<1x80xi32, #tpu.memory_space<vmem>> -> memref<80xi32, #tpu.memory_space<vmem>>
    %dma_start3A_37 = arith.constant 0 : i32
    %dma_start3A_38 = arith.constant 0 : i32
    %dma_start3A_39 = tpu.memref_slice %arg2[%dma_start3A_37, %dma_start3A_38] : memref<10000x128xbf16, #tpu.memory_space<hbm>> -> memref<10000x128xbf16, #tpu.memory_space<hbm>>
    tpu.enqueue_indirect_dma source(%dma_start3A_39 : memref<10000x128xbf16, #tpu.memory_space<hbm>>) target(%dma_start3A_33 : memref<80x128xbf16, #tpu.memory_space<vmem>>) offsets(%dma_start3A_36 : memref<80xi32, #tpu.memory_space<vmem>>) semaphore(%arg11 : memref<!tpu.dma_semaphore, #tpu.memory_space<semaphore_mem>>)
    %dma_start3A_40 = arith.constant 1 : i32
    %dma_start3A_41 = arith.constant 1 : i32
    %dma_start3A_42 = arith.constant 0 : i32
    %dma_start3A_43 = arith.constant 0 : i32
    %dma_start3A_44 = tpu.memref_slice %arg8[%dma_start3A_41, %dma_start3A_42, %dma_start3A_43] : memref<8x80x128xbf16, #tpu.memory_space<vmem>> -> memref<1x80x128xbf16, #tpu.memory_space<vmem>>
    %dma_start3A_45 = tpu.memref_squeeze %dma_start3A_44 : memref<1x80x128xbf16, #tpu.memory_space<vmem>> -> memref<80x128xbf16, #tpu.memory_space<vmem>>
    %dma_start3A_46 = arith.constant 0 : i32
    %dma_start3A_47 = tpu.memref_slice %arg6[%dma_start3A_40, %dma_start3A_46] : memref<125x80xi32, #tpu.memory_space<vmem>> -> memref<1x80xi32, #tpu.memory_space<vmem>>
    %dma_start3A_48 = tpu.memref_squeeze %dma_start3A_47 : memref<1x80xi32, #tpu.memory_space<vmem>> -> memref<80xi32, #tpu.memory_space<vmem>>
    %dma_start3A_49 = arith.constant 0 : i32
    %dma_start3A_50 = arith.constant 0 : i32
    %dma_start3A_51 = tpu.memref_slice %arg2[%dma_start3A_49, %dma_start3A_50] : memref<10000x128xbf16, #tpu.memory_space<hbm>> -> memref<10000x128xbf16, #tpu.memory_space<hbm>>
    tpu.enqueue_indirect_dma source(%dma_start3A_51 : memref<10000x128xbf16, #tpu.memory_space<hbm>>) target(%dma_start3A_45 : memref<80x128xbf16, #tpu.memory_space<vmem>>) offsets(%dma_start3A_48 : memref<80xi32, #tpu.memory_space<vmem>>) semaphore(%arg11 : memref<!tpu.dma_semaphore, #tpu.memory_space<semaphore_mem>>)
    %dma_start3A_52 = arith.constant 2 : i32
    %dma_start3A_53 = arith.constant 2 : i32
    %dma_start3A_54 = arith.constant 0 : i32
    %dma_start3A_55 = arith.constant 0 : i32
    %dma_start3A_56 = tpu.memref_slice %arg8[%dma_start3A_53, %dma_start3A_54, %dma_start3A_55] : memref<8x80x128xbf16, #tpu.memory_space<vmem>> -> memref<1x80x128xbf16, #tpu.memory_space<vmem>>
    %dma_start3A_57 = tpu.memref_squeeze %dma_start3A_56 : memref<1x80x128xbf16, #tpu.memory_space<vmem>> -> memref<80x128xbf16, #tpu.memory_space<vmem>>
    %dma_start3A_58 = arith.constant 0 : i32
    %dma_start3A_59 = tpu.memref_slice %arg6[%dma_start3A_52, %dma_start3A_58] : memref<125x80xi32, #tpu.memory_space<vmem>> -> memref<1x80xi32, #tpu.memory_space<vmem>>
    %dma_start3A_60 = tpu.memref_squeeze %dma_start3A_59 : memref<1x80xi32, #tpu.memory_space<vmem>> -> memref<80xi32, #tpu.memory_space<vmem>>
    %dma_start3A_61 = arith.constant 0 : i32
    %dma_start3A_62 = arith.constant 0 : i32
    %dma_start3A_63 = tpu.memref_slice %arg2[%dma_start3A_61, %dma_start3A_62] : memref<10000x128xbf16, #tpu.memory_space<hbm>> -> memref<10000x128xbf16, #tpu.memory_space<hbm>>
    tpu.enqueue_indirect_dma source(%dma_start3A_63 : memref<10000x128xbf16, #tpu.memory_space<hbm>>) target(%dma_start3A_57 : memref<80x128xbf16, #tpu.memory_space<vmem>>) offsets(%dma_start3A_60 : memref<80xi32, #tpu.memory_space<vmem>>) semaphore(%arg11 : memref<!tpu.dma_semaphore, #tpu.memory_space<semaphore_mem>>)
    %dma_start3A_64 = arith.constant 3 : i32
    %dma_start3A_65 = arith.constant 3 : i32
    %dma_start3A_66 = arith.constant 0 : i32
    %dma_start3A_67 = arith.constant 0 : i32
    %dma_start3A_68 = tpu.memref_slice %arg8[%dma_start3A_65, %dma_start3A_66, %dma_start3A_67] : memref<8x80x128xbf16, #tpu.memory_space<vmem>> -> memref<1x80x128xbf16, #tpu.memory_space<vmem>>
    %dma_start3A_69 = tpu.memref_squeeze %dma_start3A_68 : memref<1x80x128xbf16, #tpu.memory_space<vmem>> -> memref<80x128xbf16, #tpu.memory_space<vmem>>
    %dma_start3A_70 = arith.constant 0 : i32
    %dma_start3A_71 = tpu.memref_slice %arg6[%dma_start3A_64, %dma_start3A_70] : memref<125x80xi32, #tpu.memory_space<vmem>> -> memref<1x80xi32, #tpu.memory_space<vmem>>
    %dma_start3A_72 = tpu.memref_squeeze %dma_start3A_71 : memref<1x80xi32, #tpu.memory_space<vmem>> -> memref<80xi32, #tpu.memory_space<vmem>>
    %dma_start3A_73 = arith.constant 0 : i32
    %dma_start3A_74 = arith.constant 0 : i32
    %dma_start3A_75 = tpu.memref_slice %arg2[%dma_start3A_73, %dma_start3A_74] : memref<10000x128xbf16, #tpu.memory_space<hbm>> -> memref<10000x128xbf16, #tpu.memory_space<hbm>>
    tpu.enqueue_indirect_dma source(%dma_start3A_75 : memref<10000x128xbf16, #tpu.memory_space<hbm>>) target(%dma_start3A_69 : memref<80x128xbf16, #tpu.memory_space<vmem>>) offsets(%dma_start3A_72 : memref<80xi32, #tpu.memory_space<vmem>>) semaphore(%arg11 : memref<!tpu.dma_semaphore, #tpu.memory_space<semaphore_mem>>)
    %dma_start3A_76 = arith.constant 4 : i32
    %dma_start3A_77 = arith.constant 4 : i32
    %dma_start3A_78 = arith.constant 0 : i32
    %dma_start3A_79 = arith.constant 0 : i32
    %dma_start3A_80 = tpu.memref_slice %arg8[%dma_start3A_77, %dma_start3A_78, %dma_start3A_79] : memref<8x80x128xbf16, #tpu.memory_space<vmem>> -> memref<1x80x128xbf16, #tpu.memory_space<vmem>>
    %dma_start3A_81 = tpu.memref_squeeze %dma_start3A_80 : memref<1x80x128xbf16, #tpu.memory_space<vmem>> -> memref<80x128xbf16, #tpu.memory_space<vmem>>
    %dma_start3A_82 = arith.constant 0 : i32
    %dma_start3A_83 = tpu.memref_slice %arg6[%dma_start3A_76, %dma_start3A_82] : memref<125x80xi32, #tpu.memory_space<vmem>> -> memref<1x80xi32, #tpu.memory_space<vmem>>
    %dma_start3A_84 = tpu.memref_squeeze %dma_start3A_83 : memref<1x80xi32, #tpu.memory_space<vmem>> -> memref<80xi32, #tpu.memory_space<vmem>>
    %dma_start3A_85 = arith.constant 0 : i32
    %dma_start3A_86 = arith.constant 0 : i32
    %dma_start3A_87 = tpu.memref_slice %arg2[%dma_start3A_85, %dma_start3A_86] : memref<10000x128xbf16, #tpu.memory_space<hbm>> -> memref<10000x128xbf16, #tpu.memory_space<hbm>>
    tpu.enqueue_indirect_dma source(%dma_start3A_87 : memref<10000x128xbf16, #tpu.memory_space<hbm>>) target(%dma_start3A_81 : memref<80x128xbf16, #tpu.memory_space<vmem>>) offsets(%dma_start3A_84 : memref<80xi32, #tpu.memory_space<vmem>>) semaphore(%arg11 : memref<!tpu.dma_semaphore, #tpu.memory_space<semaphore_mem>>)
    %dma_start3A_88 = arith.constant 5 : i32
    %dma_start3A_89 = arith.constant 5 : i32
    %dma_start3A_90 = arith.constant 0 : i32
    %dma_start3A_91 = arith.constant 0 : i32
    %dma_start3A_92 = tpu.memref_slice %arg8[%dma_start3A_89, %dma_start3A_90, %dma_start3A_91] : memref<8x80x128xbf16, #tpu.memory_space<vmem>> -> memref<1x80x128xbf16, #tpu.memory_space<vmem>>
    %dma_start3A_93 = tpu.memref_squeeze %dma_start3A_92 : memref<1x80x128xbf16, #tpu.memory_space<vmem>> -> memref<80x128xbf16, #tpu.memory_space<vmem>>
    %dma_start3A_94 = arith.constant 0 : i32
    %dma_start3A_95 = tpu.memref_slice %arg6[%dma_start3A_88, %dma_start3A_94] : memref<125x80xi32, #tpu.memory_space<vmem>> -> memref<1x80xi32, #tpu.memory_space<vmem>>
    %dma_start3A_96 = tpu.memref_squeeze %dma_start3A_95 : memref<1x80xi32, #tpu.memory_space<vmem>> -> memref<80xi32, #tpu.memory_space<vmem>>
    %dma_start3A_97 = arith.constant 0 : i32
    %dma_start3A_98 = arith.constant 0 : i32
    %dma_start3A_99 = tpu.memref_slice %arg2[%dma_start3A_97, %dma_start3A_98] : memref<10000x128xbf16, #tpu.memory_space<hbm>> -> memref<10000x128xbf16, #tpu.memory_space<hbm>>
    tpu.enqueue_indirect_dma source(%dma_start3A_99 : memref<10000x128xbf16, #tpu.memory_space<hbm>>) target(%dma_start3A_93 : memref<80x128xbf16, #tpu.memory_space<vmem>>) offsets(%dma_start3A_96 : memref<80xi32, #tpu.memory_space<vmem>>) semaphore(%arg11 : memref<!tpu.dma_semaphore, #tpu.memory_space<semaphore_mem>>)
    %dma_start3A_100 = arith.constant 6 : i32
    %dma_start3A_101 = arith.constant 6 : i32
    %dma_start3A_102 = arith.constant 0 : i32
    %dma_start3A_103 = arith.constant 0 : i32
    %dma_start3A_104 = tpu.memref_slice %arg8[%dma_start3A_101, %dma_start3A_102, %dma_start3A_103] : memref<8x80x128xbf16, #tpu.memory_space<vmem>> -> memref<1x80x128xbf16, #tpu.memory_space<vmem>>
    %dma_start3A_105 = tpu.memref_squeeze %dma_start3A_104 : memref<1x80x128xbf16, #tpu.memory_space<vmem>> -> memref<80x128xbf16, #tpu.memory_space<vmem>>
    %dma_start3A_106 = arith.constant 0 : i32
    %dma_start3A_107 = tpu.memref_slice %arg6[%dma_start3A_100, %dma_start3A_106] : memref<125x80xi32, #tpu.memory_space<vmem>> -> memref<1x80xi32, #tpu.memory_space<vmem>>
    %dma_start3A_108 = tpu.memref_squeeze %dma_start3A_107 : memref<1x80xi32, #tpu.memory_space<vmem>> -> memref<80xi32, #tpu.memory_space<vmem>>
    %dma_start3A_109 = arith.constant 0 : i32
    %dma_start3A_110 = arith.constant 0 : i32
    %dma_start3A_111 = tpu.memref_slice %arg2[%dma_start3A_109, %dma_start3A_110] : memref<10000x128xbf16, #tpu.memory_space<hbm>> -> memref<10000x128xbf16, #tpu.memory_space<hbm>>
    tpu.enqueue_indirect_dma source(%dma_start3A_111 : memref<10000x128xbf16, #tpu.memory_space<hbm>>) target(%dma_start3A_105 : memref<80x128xbf16, #tpu.memory_space<vmem>>) offsets(%dma_start3A_108 : memref<80xi32, #tpu.memory_space<vmem>>) semaphore(%arg11 : memref<!tpu.dma_semaphore, #tpu.memory_space<semaphore_mem>>)
    %dma_start3A_112 = arith.constant 7 : i32
    %dma_start3A_113 = arith.constant 7 : i32
    %dma_start3A_114 = arith.constant 0 : i32
    %dma_start3A_115 = arith.constant 0 : i32
    %dma_start3A_116 = tpu.memref_slice %arg8[%dma_start3A_113, %dma_start3A_114, %dma_start3A_115] : memref<8x80x128xbf16, #tpu.memory_space<vmem>> -> memref<1x80x128xbf16, #tpu.memory_space<vmem>>
    %dma_start3A_117 = tpu.memref_squeeze %dma_start3A_116 : memref<1x80x128xbf16, #tpu.memory_space<vmem>> -> memref<80x128xbf16, #tpu.memory_space<vmem>>
    %dma_start3A_118 = arith.constant 0 : i32
    %dma_start3A_119 = tpu.memref_slice %arg6[%dma_start3A_112, %dma_start3A_118] : memref<125x80xi32, #tpu.memory_space<vmem>> -> memref<1x80xi32, #tpu.memory_space<vmem>>
    %dma_start3A_120 = tpu.memref_squeeze %dma_start3A_119 : memref<1x80xi32, #tpu.memory_space<vmem>> -> memref<80xi32, #tpu.memory_space<vmem>>
    %dma_start3A_121 = arith.constant 0 : i32
    %dma_start3A_122 = arith.constant 0 : i32
    %dma_start3A_123 = tpu.memref_slice %arg2[%dma_start3A_121, %dma_start3A_122] : memref<10000x128xbf16, #tpu.memory_space<hbm>> -> memref<10000x128xbf16, #tpu.memory_space<hbm>>
    tpu.enqueue_indirect_dma source(%dma_start3A_123 : memref<10000x128xbf16, #tpu.memory_space<hbm>>) target(%dma_start3A_117 : memref<80x128xbf16, #tpu.memory_space<vmem>>) offsets(%dma_start3A_120 : memref<80xi32, #tpu.memory_space<vmem>>) semaphore(%arg11 : memref<!tpu.dma_semaphore, #tpu.memory_space<semaphore_mem>>)
    %scan3A_124 = arith.constant 0 : i32
    %scan3A_125 = arith.constant 0 : i32
    %scan3A_126 = arith.constant 125 : i32
    %scan3A_127 = arith.addi %scan3A_125, %scan3A_126 : i32
    %scan3A_128 = arith.constant 1 : i32
    scf.for %scan3A_147 = %scan3A_125 to %scan3A_127 step %scan3A_128  : i32 {
      %rem3A_148 = arith.constant 8 : i32
      %rem3A_149 = arith.remsi %scan3A_147, %rem3A_148 : i32
      %dma_wait3A_150 = arith.constant 0 : i32
      %dma_wait3A_151 = arith.constant 0 : i32
      %dma_wait3A_152 = tpu.memref_slice %arg8[%rem3A_149, %dma_wait3A_150, %dma_wait3A_151] : memref<8x80x128xbf16, #tpu.memory_space<vmem>> -> memref<1x80x128xbf16, #tpu.memory_space<vmem>>
      %dma_wait3A_153 = tpu.memref_squeeze %dma_wait3A_152 : memref<1x80x128xbf16, #tpu.memory_space<vmem>> -> memref<80x128xbf16, #tpu.memory_space<vmem>>
      %dma_wait3A_154 = arith.constant 0 : i32
      %dma_wait3A_155 = tpu.memref_slice %arg6[%scan3A_147, %dma_wait3A_154] : memref<125x80xi32, #tpu.memory_space<vmem>> -> memref<1x80xi32, #tpu.memory_space<vmem>>
      %dma_wait3A_156 = tpu.memref_squeeze %dma_wait3A_155 : memref<1x80xi32, #tpu.memory_space<vmem>> -> memref<80xi32, #tpu.memory_space<vmem>>
      %dma_wait3A_157 = arith.constant 0 : i32
      %dma_wait3A_158 = arith.constant 0 : i32
      %dma_wait3A_159 = tpu.memref_slice %arg2[%dma_wait3A_157, %dma_wait3A_158] : memref<10000x128xbf16, #tpu.memory_space<hbm>> -> memref<10000x128xbf16, #tpu.memory_space<hbm>>
      tpu.wait_indirect_dma semaphore(%arg11 : memref<!tpu.dma_semaphore, #tpu.memory_space<semaphore_mem>>) src(%dma_wait3A_159 : memref<10000x128xbf16, #tpu.memory_space<hbm>>) dst(%dma_wait3A_153 : memref<80x128xbf16, #tpu.memory_space<vmem>>)
      %dma_start3A_160 = arith.constant 0 : i32
      %dma_start3A_161 = arith.constant 0 : i32
      %dma_start3A_162 = tpu.memref_slice %arg8[%rem3A_149, %dma_start3A_160, %dma_start3A_161] : memref<8x80x128xbf16, #tpu.memory_space<vmem>> -> memref<1x80x128xbf16, #tpu.memory_space<vmem>>
      %dma_start3A_163 = tpu.memref_squeeze %dma_start3A_162 : memref<1x80x128xbf16, #tpu.memory_space<vmem>> -> memref<80x128xbf16, #tpu.memory_space<vmem>>
      %dma_start3A_164 = arith.constant 0 : i32
      %dma_start3A_165 = tpu.memref_slice %arg7[%scan3A_147, %dma_start3A_164] : memref<125x80xi32, #tpu.memory_space<vmem>> -> memref<1x80xi32, #tpu.memory_space<vmem>>
      %dma_start3A_166 = tpu.memref_squeeze %dma_start3A_165 : memref<1x80xi32, #tpu.memory_space<vmem>> -> memref<80xi32, #tpu.memory_space<vmem>>
      %dma_start3A_167 = arith.constant 0 : i32
      %dma_start3A_168 = arith.constant 0 : i32
      %dma_start3A_169 = tpu.memref_slice %arg10[%dma_start3A_167, %dma_start3A_168] : memref<10240x128xbf16, #tpu.memory_space<vmem_shared>> -> memref<10240x128xbf16, #tpu.memory_space<vmem_shared>>
      tpu.enqueue_indirect_dma source(%dma_start3A_163 : memref<80x128xbf16, #tpu.memory_space<vmem>>) target(%dma_start3A_169 : memref<10240x128xbf16, #tpu.memory_space<vmem_shared>>) offsets(%dma_start3A_166 : memref<80xi32, #tpu.memory_space<vmem>>) semaphore(%arg12 : memref<!tpu.dma_semaphore, #tpu.memory_space<semaphore_mem>>) {add = true}
      %add3A_170 = arith.constant 8 : i32
      %add3A_171 = arith.addi %scan3A_147, %add3A_170 : i32
      %sub3A = arith.constant 1 : i32
      %sub3A_172 = arith.subi %add3A_171, %sub3A : i32
      %rem3A_173 = arith.constant 8 : i32
      %rem3A_174 = arith.remsi %sub3A_172, %rem3A_173 : i32
      %ge3A = arith.constant 1 : i32
      %ge3A_175 = arith.cmpi sge, %scan3A_147, %ge3A : i32
      %convert_element_type3A = arith.extui %ge3A_175 : i1 to i32
      %cond3A = arith.constant 0 : i32
      %cond3A_176 = arith.cmpi ne, %convert_element_type3A, %cond3A : i32
      scf.if %cond3A_176 {
        %sub3A_177 = arith.constant 1 : i32
        %sub3A_178 = arith.subi %scan3A_147, %sub3A_177 : i32
        %dma_wait3A_179 = arith.constant 0 : i32
        %dma_wait3A_180 = arith.constant 0 : i32
        %dma_wait3A_181 = tpu.memref_slice %arg8[%rem3A_174, %dma_wait3A_179, %dma_wait3A_180] : memref<8x80x128xbf16, #tpu.memory_space<vmem>> -> memref<1x80x128xbf16, #tpu.memory_space<vmem>>
        %dma_wait3A_182 = tpu.memref_squeeze %dma_wait3A_181 : memref<1x80x128xbf16, #tpu.memory_space<vmem>> -> memref<80x128xbf16, #tpu.memory_space<vmem>>
        %dma_wait3A_183 = arith.constant 0 : i32
        %dma_wait3A_184 = tpu.memref_slice %arg7[%sub3A_178, %dma_wait3A_183] : memref<125x80xi32, #tpu.memory_space<vmem>> -> memref<1x80xi32, #tpu.memory_space<vmem>>
        %dma_wait3A_185 = tpu.memref_squeeze %dma_wait3A_184 : memref<1x80xi32, #tpu.memory_space<vmem>> -> memref<80xi32, #tpu.memory_space<vmem>>
        %dma_wait3A_186 = arith.constant 0 : i32
        %dma_wait3A_187 = arith.constant 0 : i32
        %dma_wait3A_188 = tpu.memref_slice %arg10[%dma_wait3A_186, %dma_wait3A_187] : memref<10240x128xbf16, #tpu.memory_space<vmem_shared>> -> memref<10240x128xbf16, #tpu.memory_space<vmem_shared>>
        tpu.wait_indirect_dma semaphore(%arg12 : memref<!tpu.dma_semaphore, #tpu.memory_space<semaphore_mem>>) src(%dma_wait3A_182 : memref<80x128xbf16, #tpu.memory_space<vmem>>) dst(%dma_wait3A_188 : memref<10240x128xbf16, #tpu.memory_space<vmem_shared>>)
        %sub3A_189 = arith.constant 1 : i32
        %sub3A_190 = arith.subi %scan3A_147, %sub3A_189 : i32
        %add3A_191 = arith.constant 8 : i32
        %add3A_192 = arith.addi %sub3A_190, %add3A_191 : i32
        %lt3A = arith.constant 125 : i32
        %lt3A_193 = arith.cmpi slt, %add3A_192, %lt3A : i32
        %convert_element_type3A_194 = arith.extui %lt3A_193 : i1 to i32
        %cond3A_195 = arith.constant 0 : i32
        %cond3A_196 = arith.cmpi ne, %convert_element_type3A_194, %cond3A_195 : i32
        scf.if %cond3A_196 {
          %sub3A_197 = arith.constant 1 : i32
          %sub3A_198 = arith.subi %scan3A_147, %sub3A_197 : i32
          %add3A_199 = arith.constant 8 : i32
          %add3A_200 = arith.addi %sub3A_198, %add3A_199 : i32
          %dma_start3A_201 = arith.constant 0 : i32
          %dma_start3A_202 = arith.constant 0 : i32
          %dma_start3A_203 = tpu.memref_slice %arg8[%rem3A_174, %dma_start3A_201, %dma_start3A_202] : memref<8x80x128xbf16, #tpu.memory_space<vmem>> -> memref<1x80x128xbf16, #tpu.memory_space<vmem>>
          %dma_start3A_204 = tpu.memref_squeeze %dma_start3A_203 : memref<1x80x128xbf16, #tpu.memory_space<vmem>> -> memref<80x128xbf16, #tpu.memory_space<vmem>>
          %dma_start3A_205 = arith.constant 0 : i32
          %dma_start3A_206 = tpu.memref_slice %arg6[%add3A_200, %dma_start3A_205] : memref<125x80xi32, #tpu.memory_space<vmem>> -> memref<1x80xi32, #tpu.memory_space<vmem>>
          %dma_start3A_207 = tpu.memref_squeeze %dma_start3A_206 : memref<1x80xi32, #tpu.memory_space<vmem>> -> memref<80xi32, #tpu.memory_space<vmem>>
          %dma_start3A_208 = arith.constant 0 : i32
          %dma_start3A_209 = arith.constant 0 : i32
          %dma_start3A_210 = tpu.memref_slice %arg2[%dma_start3A_208, %dma_start3A_209] : memref<10000x128xbf16, #tpu.memory_space<hbm>> -> memref<10000x128xbf16, #tpu.memory_space<hbm>>
          tpu.enqueue_indirect_dma source(%dma_start3A_210 : memref<10000x128xbf16, #tpu.memory_space<hbm>>) target(%dma_start3A_204 : memref<80x128xbf16, #tpu.memory_space<vmem>>) offsets(%dma_start3A_207 : memref<80xi32, #tpu.memory_space<vmem>>) semaphore(%arg11 : memref<!tpu.dma_semaphore, #tpu.memory_space<semaphore_mem>>)
        } else {
        }
      } else {
      }
    }
    %scan3A_129 = arith.constant 125 : i32
    %rem3A = arith.constant 124 : i32
    %rem3A_130 = arith.constant 8 : i32
    %rem3A_131 = arith.remsi %rem3A, %rem3A_130 : i32
    %dma_wait3A = arith.constant 124 : i32
    %dma_wait3A_132 = arith.constant 0 : i32
    %dma_wait3A_133 = arith.constant 0 : i32
    %dma_wait3A_134 = tpu.memref_slice %arg8[%rem3A_131, %dma_wait3A_132, %dma_wait3A_133] : memref<8x80x128xbf16, #tpu.memory_space<vmem>> -> memref<1x80x128xbf16, #tpu.memory_space<vmem>>
    %dma_wait3A_135 = tpu.memref_squeeze %dma_wait3A_134 : memref<1x80x128xbf16, #tpu.memory_space<vmem>> -> memref<80x128xbf16, #tpu.memory_space<vmem>>
    %dma_wait3A_136 = arith.constant 0 : i32
    %dma_wait3A_137 = tpu.memref_slice %arg7[%dma_wait3A, %dma_wait3A_136] : memref<125x80xi32, #tpu.memory_space<vmem>> -> memref<1x80xi32, #tpu.memory_space<vmem>>
    %dma_wait3A_138 = tpu.memref_squeeze %dma_wait3A_137 : memref<1x80xi32, #tpu.memory_space<vmem>> -> memref<80xi32, #tpu.memory_space<vmem>>
    %dma_wait3A_139 = arith.constant 0 : i32
    %dma_wait3A_140 = arith.constant 0 : i32
    %dma_wait3A_141 = tpu.memref_slice %arg10[%dma_wait3A_139, %dma_wait3A_140] : memref<10240x128xbf16, #tpu.memory_space<vmem_shared>> -> memref<10240x128xbf16, #tpu.memory_space<vmem_shared>>
    tpu.wait_indirect_dma semaphore(%arg12 : memref<!tpu.dma_semaphore, #tpu.memory_space<semaphore_mem>>) src(%dma_wait3A_135 : memref<80x128xbf16, #tpu.memory_space<vmem>>) dst(%dma_wait3A_141 : memref<10240x128xbf16, #tpu.memory_space<vmem_shared>>)
    %barrier3A_142 = arith.constant 0 : index
    tpu.barrier barrier_id(%barrier3A_142)
    %mul3A_143 = arith.constant 640 : i32
    %mul3A_144 = arith.muli %arg1, %mul3A_143 : i32
    %mul3A_145 = arith.constant 640 : i32
    %mul3A_146 = arith.muli %arg1, %mul3A_145 : i32
    "tpu.region"() ({
      %run_scoped3A = tpu.sem_alloc : memref<!tpu.dma_semaphore, #tpu.memory_space<semaphore_mem>>
      %dma_start3A_147 = arith.constant 0 : i32
      %dma_start3A_148 = tpu.memref_slice %arg5[%arg0, %mul3A_146, %dma_start3A_147] : memref<2x10240x128xbf16, #tpu.memory_space<hbm>> -> memref<1x640x128xbf16, #tpu.memory_space<hbm>>
      %dma_start3A_149 = tpu.memref_squeeze %dma_start3A_148 : memref<1x640x128xbf16, #tpu.memory_space<hbm>> -> memref<640x128xbf16, #tpu.memory_space<hbm>>
      %dma_start3A_150 = arith.constant 0 : i32
      %dma_start3A_151 = tpu.memref_slice %arg10[%mul3A_144, %dma_start3A_150] : memref<10240x128xbf16, #tpu.memory_space<vmem_shared>> -> memref<640x128xbf16, #tpu.memory_space<vmem_shared>>
      tpu.enqueue_dma source(%dma_start3A_151 : memref<640x128xbf16, #tpu.memory_space<vmem_shared>>) target(%dma_start3A_149 : memref<640x128xbf16, #tpu.memory_space<hbm>>) target_semaphore(%run_scoped3A : memref<!tpu.dma_semaphore, #tpu.memory_space<semaphore_mem>>)
      %dma_wait3A_152 = arith.constant 0 : i32
      %dma_wait3A_153 = tpu.memref_slice %arg5[%arg0, %mul3A_146, %dma_wait3A_152] : memref<2x10240x128xbf16, #tpu.memory_space<hbm>> -> memref<1x640x128xbf16, #tpu.memory_space<hbm>>
      %dma_wait3A_154 = tpu.memref_squeeze %dma_wait3A_153 : memref<1x640x128xbf16, #tpu.memory_space<hbm>> -> memref<640x128xbf16, #tpu.memory_space<hbm>>
      %dma_wait3A_155 = arith.constant 0 : i32
      %dma_wait3A_156 = tpu.memref_slice %arg10[%mul3A_144, %dma_wait3A_155] : memref<10240x128xbf16, #tpu.memory_space<vmem_shared>> -> memref<640x128xbf16, #tpu.memory_space<vmem_shared>>
      tpu.wait_dma2 semaphore(%run_scoped3A : memref<!tpu.dma_semaphore, #tpu.memory_space<semaphore_mem>>) src(%dma_wait3A_156 : memref<640x128xbf16, #tpu.memory_space<vmem_shared>>) dst(%dma_wait3A_154 : memref<640x128xbf16, #tpu.memory_space<hbm>>)
      tpu.yield
    }) : () -> ()
    return
  }
}

#map = affine_map<(d0, d1) -> (0, 0)>
#map1 = affine_map<(d0, d1) -> (0, 0, 0)>
module attributes {stable_mosaic.version = 14 : i64} {
  func.func @_sage_agg_body(%arg0: i32, %arg1: i32, %arg2: memref<10000x128xbf16, #tpu.memory_space<hbm>>, %arg3: memref<32x125x80xi32, #tpu.memory_space<hbm>>, %arg4: memref<32x125x80xi32, #tpu.memory_space<hbm>>, %arg5: memref<2x10240x128xbf16, #tpu.memory_space<hbm>>, %arg6: memref<32x10240xf32, #tpu.memory_space<hbm>>, %arg7: memref<125x80xi32, #tpu.memory_space<vmem>>, %arg8: memref<125x80xi32, #tpu.memory_space<vmem>>, %arg9: memref<8x80x128xbf16, #tpu.memory_space<vmem>>, %arg10: memref<128x128xbf16, #tpu.memory_space<vmem>>, %arg11: memref<10240xf32, #tpu.memory_space<vmem>>, %arg12: memref<10240x128xbf16, #tpu.memory_space<vmem_shared>>, %arg13: memref<!tpu.dma_semaphore, #tpu.memory_space<semaphore_mem>>, %arg14: memref<!tpu.dma_semaphore, #tpu.memory_space<semaphore_mem>>) attributes {dimension_semantics = [#tpu.dimension_semantics<core_parallel>, #tpu.dimension_semantics<subcore_parallel>], iteration_bounds = array<i64: 2, 16>, scalar_prefetch = 0 : i64, scratch_operands = 8 : i64, tpu.core_type = #tpu.core_type<sc_vector_subcore>, window_params = [{transform_indices = #map}, {transform_indices = #map1}, {transform_indices = #map1}, {transform_indices = #map1}, {transform_indices = #map}]} {
    %mul3A = arith.constant 2 : i32
    %mul3A_0 = arith.muli %arg1, %mul3A : i32
    %add3A = arith.addi %mul3A_0, %arg0 : i32
    "tpu.region"() ({
      %run_scoped3A = tpu.sem_alloc : memref<!tpu.dma_semaphore, #tpu.memory_space<semaphore_mem>>
      %dma_start3A_155 = arith.constant 0 : i32
      %dma_start3A_156 = arith.constant 0 : i32
      %dma_start3A_157 = tpu.memref_slice %arg3[%add3A, %dma_start3A_155, %dma_start3A_156] : memref<32x125x80xi32, #tpu.memory_space<hbm>> -> memref<1x125x80xi32, #tpu.memory_space<hbm>>
      %dma_start3A_158 = tpu.memref_squeeze %dma_start3A_157 : memref<1x125x80xi32, #tpu.memory_space<hbm>> -> memref<125x80xi32, #tpu.memory_space<hbm>>
      %dma_start3A_159 = arith.constant 0 : i32
      %dma_start3A_160 = arith.constant 0 : i32
      %dma_start3A_161 = tpu.memref_slice %arg3[%add3A, %dma_start3A_159, %dma_start3A_160] : memref<32x125x80xi32, #tpu.memory_space<hbm>> -> memref<1x125x80xi32, #tpu.memory_space<hbm>>
      %dma_start3A_162 = tpu.memref_squeeze %dma_start3A_161 : memref<1x125x80xi32, #tpu.memory_space<hbm>> -> memref<125x80xi32, #tpu.memory_space<hbm>>
      tpu.enqueue_dma source(%dma_start3A_162 : memref<125x80xi32, #tpu.memory_space<hbm>>) target(%arg7 : memref<125x80xi32, #tpu.memory_space<vmem>>) target_semaphore(%run_scoped3A : memref<!tpu.dma_semaphore, #tpu.memory_space<semaphore_mem>>)
      %dma_wait3A_163 = arith.constant 0 : i32
      %dma_wait3A_164 = arith.constant 0 : i32
      %dma_wait3A_165 = tpu.memref_slice %arg3[%add3A, %dma_wait3A_163, %dma_wait3A_164] : memref<32x125x80xi32, #tpu.memory_space<hbm>> -> memref<1x125x80xi32, #tpu.memory_space<hbm>>
      %dma_wait3A_166 = tpu.memref_squeeze %dma_wait3A_165 : memref<1x125x80xi32, #tpu.memory_space<hbm>> -> memref<125x80xi32, #tpu.memory_space<hbm>>
      %dma_wait3A_167 = arith.constant 0 : i32
      %dma_wait3A_168 = arith.constant 0 : i32
      %dma_wait3A_169 = tpu.memref_slice %arg3[%add3A, %dma_wait3A_167, %dma_wait3A_168] : memref<32x125x80xi32, #tpu.memory_space<hbm>> -> memref<1x125x80xi32, #tpu.memory_space<hbm>>
      %dma_wait3A_170 = tpu.memref_squeeze %dma_wait3A_169 : memref<1x125x80xi32, #tpu.memory_space<hbm>> -> memref<125x80xi32, #tpu.memory_space<hbm>>
      tpu.wait_dma2 semaphore(%run_scoped3A : memref<!tpu.dma_semaphore, #tpu.memory_space<semaphore_mem>>) src(%dma_wait3A_170 : memref<125x80xi32, #tpu.memory_space<hbm>>) dst(%arg7 : memref<125x80xi32, #tpu.memory_space<vmem>>)
      tpu.yield
    }) : () -> ()
    "tpu.region"() ({
      %run_scoped3A = tpu.sem_alloc : memref<!tpu.dma_semaphore, #tpu.memory_space<semaphore_mem>>
      %dma_start3A_155 = arith.constant 0 : i32
      %dma_start3A_156 = arith.constant 0 : i32
      %dma_start3A_157 = tpu.memref_slice %arg4[%add3A, %dma_start3A_155, %dma_start3A_156] : memref<32x125x80xi32, #tpu.memory_space<hbm>> -> memref<1x125x80xi32, #tpu.memory_space<hbm>>
      %dma_start3A_158 = tpu.memref_squeeze %dma_start3A_157 : memref<1x125x80xi32, #tpu.memory_space<hbm>> -> memref<125x80xi32, #tpu.memory_space<hbm>>
      %dma_start3A_159 = arith.constant 0 : i32
      %dma_start3A_160 = arith.constant 0 : i32
      %dma_start3A_161 = tpu.memref_slice %arg4[%add3A, %dma_start3A_159, %dma_start3A_160] : memref<32x125x80xi32, #tpu.memory_space<hbm>> -> memref<1x125x80xi32, #tpu.memory_space<hbm>>
      %dma_start3A_162 = tpu.memref_squeeze %dma_start3A_161 : memref<1x125x80xi32, #tpu.memory_space<hbm>> -> memref<125x80xi32, #tpu.memory_space<hbm>>
      tpu.enqueue_dma source(%dma_start3A_162 : memref<125x80xi32, #tpu.memory_space<hbm>>) target(%arg8 : memref<125x80xi32, #tpu.memory_space<vmem>>) target_semaphore(%run_scoped3A : memref<!tpu.dma_semaphore, #tpu.memory_space<semaphore_mem>>)
      %dma_wait3A_163 = arith.constant 0 : i32
      %dma_wait3A_164 = arith.constant 0 : i32
      %dma_wait3A_165 = tpu.memref_slice %arg4[%add3A, %dma_wait3A_163, %dma_wait3A_164] : memref<32x125x80xi32, #tpu.memory_space<hbm>> -> memref<1x125x80xi32, #tpu.memory_space<hbm>>
      %dma_wait3A_166 = tpu.memref_squeeze %dma_wait3A_165 : memref<1x125x80xi32, #tpu.memory_space<hbm>> -> memref<125x80xi32, #tpu.memory_space<hbm>>
      %dma_wait3A_167 = arith.constant 0 : i32
      %dma_wait3A_168 = arith.constant 0 : i32
      %dma_wait3A_169 = tpu.memref_slice %arg4[%add3A, %dma_wait3A_167, %dma_wait3A_168] : memref<32x125x80xi32, #tpu.memory_space<hbm>> -> memref<1x125x80xi32, #tpu.memory_space<hbm>>
      %dma_wait3A_170 = tpu.memref_squeeze %dma_wait3A_169 : memref<1x125x80xi32, #tpu.memory_space<hbm>> -> memref<125x80xi32, #tpu.memory_space<hbm>>
      tpu.wait_dma2 semaphore(%run_scoped3A : memref<!tpu.dma_semaphore, #tpu.memory_space<semaphore_mem>>) src(%dma_wait3A_170 : memref<125x80xi32, #tpu.memory_space<hbm>>) dst(%arg8 : memref<125x80xi32, #tpu.memory_space<vmem>>)
      tpu.yield
    }) : () -> ()
    %broadcast_in_dim3A = arith.constant 0.000000e+00 : bf16
    %broadcast_in_dim3A_1 = vector.broadcast %broadcast_in_dim3A : bf16 to vector<32xbf16>
    %scan3A = arith.constant 0 : i32
    %scan3A_2 = arith.constant 0 : i32
    %scan3A_3 = arith.constant 128 : i32
    %scan3A_4 = arith.addi %scan3A_2, %scan3A_3 : i32
    %scan3A_5 = arith.constant 1 : i32
    scf.for %scan3A_155 = %scan3A_2 to %scan3A_4 step %scan3A_5  : i32 {
      %swap3A = arith.index_cast %scan3A_155 : i32 to index
      %swap3A_156 = arith.constant 0 : index
      %swap3A_157 = tpu.vector_load %arg10[%swap3A, %swap3A_156] {strides = array<i32>} : memref<128x128xbf16, #tpu.memory_space<vmem>>, vector<32xbf16>,
      tpu.vector_store %arg10[%swap3A, %swap3A_156], %broadcast_in_dim3A_1 {strides = array<i32>} : memref<128x128xbf16, #tpu.memory_space<vmem>>, vector<32xbf16>,
      %swap3A_158 = arith.index_cast %scan3A_155 : i32 to index
      %swap3A_159 = arith.constant 32 : index
      %swap3A_160 = tpu.vector_load %arg10[%swap3A_158, %swap3A_159] {strides = array<i32>} : memref<128x128xbf16, #tpu.memory_space<vmem>>, vector<32xbf16>,
      tpu.vector_store %arg10[%swap3A_158, %swap3A_159], %broadcast_in_dim3A_1 {strides = array<i32>} : memref<128x128xbf16, #tpu.memory_space<vmem>>, vector<32xbf16>,
      %swap3A_161 = arith.index_cast %scan3A_155 : i32 to index
      %swap3A_162 = arith.constant 64 : index
      %swap3A_163 = tpu.vector_load %arg10[%swap3A_161, %swap3A_162] {strides = array<i32>} : memref<128x128xbf16, #tpu.memory_space<vmem>>, vector<32xbf16>,
      tpu.vector_store %arg10[%swap3A_161, %swap3A_162], %broadcast_in_dim3A_1 {strides = array<i32>} : memref<128x128xbf16, #tpu.memory_space<vmem>>, vector<32xbf16>,
      %swap3A_164 = arith.index_cast %scan3A_155 : i32 to index
      %swap3A_165 = arith.constant 96 : index
      %swap3A_166 = tpu.vector_load %arg10[%swap3A_164, %swap3A_165] {strides = array<i32>} : memref<128x128xbf16, #tpu.memory_space<vmem>>, vector<32xbf16>,
      tpu.vector_store %arg10[%swap3A_164, %swap3A_165], %broadcast_in_dim3A_1 {strides = array<i32>} : memref<128x128xbf16, #tpu.memory_space<vmem>>, vector<32xbf16>,
    }
    %scan3A_6 = arith.constant 128 : i32
    %broadcast_in_dim3A_7 = arith.constant 0.000000e+00 : f32
    %broadcast_in_dim3A_8 = vector.broadcast %broadcast_in_dim3A_7 : f32 to vector<16xf32>
    %scan3A_9 = arith.constant 0 : i32
    %scan3A_10 = arith.constant 0 : i32
    %scan3A_11 = arith.constant 640 : i32
    %scan3A_12 = arith.addi %scan3A_10, %scan3A_11 : i32
    %scan3A_13 = arith.constant 1 : i32
    scf.for %scan3A_155 = %scan3A_10 to %scan3A_12 step %scan3A_13  : i32 {
      %mul3A_156 = arith.constant 16 : i32
      %mul3A_157 = arith.muli %scan3A_155, %mul3A_156 : i32
      %swap3A = arith.index_cast %mul3A_157 : i32 to index
      %swap3A_158 = tpu.vector_load %arg11[%swap3A] {strides = array<i32>} : memref<10240xf32, #tpu.memory_space<vmem>>, vector<16xf32>,
      tpu.vector_store %arg11[%swap3A], %broadcast_in_dim3A_8 {strides = array<i32>} : memref<10240xf32, #tpu.memory_space<vmem>>, vector<16xf32>,
    }
    %scan3A_14 = arith.constant 640 : i32
    %mul3A_15 = arith.constant 640 : i32
    %mul3A_16 = arith.muli %arg1, %mul3A_15 : i32
    %add3A_17 = arith.constant 0 : i32
    %add3A_18 = arith.addi %mul3A_16, %add3A_17 : i32
    "tpu.region"() ({
      %run_scoped3A = tpu.sem_alloc : memref<!tpu.dma_semaphore, #tpu.memory_space<semaphore_mem>>
      %dma_start3A_155 = arith.constant 0 : i32
      %dma_start3A_156 = tpu.memref_slice %arg12[%add3A_18, %dma_start3A_155] : memref<10240x128xbf16, #tpu.memory_space<vmem_shared>> -> memref<128x128xbf16, #tpu.memory_space<vmem_shared>>
      %dma_start3A_157 = arith.constant 0 : i32
      %dma_start3A_158 = tpu.memref_slice %arg12[%add3A_18, %dma_start3A_157] : memref<10240x128xbf16, #tpu.memory_space<vmem_shared>> -> memref<128x128xbf16, #tpu.memory_space<vmem_shared>>
      tpu.enqueue_dma source(%arg10 : memref<128x128xbf16, #tpu.memory_space<vmem>>) target(%dma_start3A_158 : memref<128x128xbf16, #tpu.memory_space<vmem_shared>>) target_semaphore(%run_scoped3A : memref<!tpu.dma_semaphore, #tpu.memory_space<semaphore_mem>>)
      %dma_wait3A_159 = arith.constant 0 : i32
      %dma_wait3A_160 = tpu.memref_slice %arg12[%add3A_18, %dma_wait3A_159] : memref<10240x128xbf16, #tpu.memory_space<vmem_shared>> -> memref<128x128xbf16, #tpu.memory_space<vmem_shared>>
      %dma_wait3A_161 = arith.constant 0 : i32
      %dma_wait3A_162 = tpu.memref_slice %arg12[%add3A_18, %dma_wait3A_161] : memref<10240x128xbf16, #tpu.memory_space<vmem_shared>> -> memref<128x128xbf16, #tpu.memory_space<vmem_shared>>
      tpu.wait_dma2 semaphore(%run_scoped3A : memref<!tpu.dma_semaphore, #tpu.memory_space<semaphore_mem>>) src(%arg10 : memref<128x128xbf16, #tpu.memory_space<vmem>>) dst(%dma_wait3A_162 : memref<128x128xbf16, #tpu.memory_space<vmem_shared>>)
      tpu.yield
    }) : () -> ()
    %mul3A_19 = arith.constant 640 : i32
    %mul3A_20 = arith.muli %arg1, %mul3A_19 : i32
    %add3A_21 = arith.constant 128 : i32
    %add3A_22 = arith.addi %mul3A_20, %add3A_21 : i32
    "tpu.region"() ({
      %run_scoped3A = tpu.sem_alloc : memref<!tpu.dma_semaphore, #tpu.memory_space<semaphore_mem>>
      %dma_start3A_155 = arith.constant 0 : i32
      %dma_start3A_156 = tpu.memref_slice %arg12[%add3A_22, %dma_start3A_155] : memref<10240x128xbf16, #tpu.memory_space<vmem_shared>> -> memref<128x128xbf16, #tpu.memory_space<vmem_shared>>
      %dma_start3A_157 = arith.constant 0 : i32
      %dma_start3A_158 = tpu.memref_slice %arg12[%add3A_22, %dma_start3A_157] : memref<10240x128xbf16, #tpu.memory_space<vmem_shared>> -> memref<128x128xbf16, #tpu.memory_space<vmem_shared>>
      tpu.enqueue_dma source(%arg10 : memref<128x128xbf16, #tpu.memory_space<vmem>>) target(%dma_start3A_158 : memref<128x128xbf16, #tpu.memory_space<vmem_shared>>) target_semaphore(%run_scoped3A : memref<!tpu.dma_semaphore, #tpu.memory_space<semaphore_mem>>)
      %dma_wait3A_159 = arith.constant 0 : i32
      %dma_wait3A_160 = tpu.memref_slice %arg12[%add3A_22, %dma_wait3A_159] : memref<10240x128xbf16, #tpu.memory_space<vmem_shared>> -> memref<128x128xbf16, #tpu.memory_space<vmem_shared>>
      %dma_wait3A_161 = arith.constant 0 : i32
      %dma_wait3A_162 = tpu.memref_slice %arg12[%add3A_22, %dma_wait3A_161] : memref<10240x128xbf16, #tpu.memory_space<vmem_shared>> -> memref<128x128xbf16, #tpu.memory_space<vmem_shared>>
      tpu.wait_dma2 semaphore(%run_scoped3A : memref<!tpu.dma_semaphore, #tpu.memory_space<semaphore_mem>>) src(%arg10 : memref<128x128xbf16, #tpu.memory_space<vmem>>) dst(%dma_wait3A_162 : memref<128x128xbf16, #tpu.memory_space<vmem_shared>>)
      tpu.yield
    }) : () -> ()
    %mul3A_23 = arith.constant 640 : i32
    %mul3A_24 = arith.muli %arg1, %mul3A_23 : i32
    %add3A_25 = arith.constant 256 : i32
    %add3A_26 = arith.addi %mul3A_24, %add3A_25 : i32
    "tpu.region"() ({
      %run_scoped3A = tpu.sem_alloc : memref<!tpu.dma_semaphore, #tpu.memory_space<semaphore_mem>>
      %dma_start3A_155 = arith.constant 0 : i32
      %dma_start3A_156 = tpu.memref_slice %arg12[%add3A_26, %dma_start3A_155] : memref<10240x128xbf16, #tpu.memory_space<vmem_shared>> -> memref<128x128xbf16, #tpu.memory_space<vmem_shared>>
      %dma_start3A_157 = arith.constant 0 : i32
      %dma_start3A_158 = tpu.memref_slice %arg12[%add3A_26, %dma_start3A_157] : memref<10240x128xbf16, #tpu.memory_space<vmem_shared>> -> memref<128x128xbf16, #tpu.memory_space<vmem_shared>>
      tpu.enqueue_dma source(%arg10 : memref<128x128xbf16, #tpu.memory_space<vmem>>) target(%dma_start3A_158 : memref<128x128xbf16, #tpu.memory_space<vmem_shared>>) target_semaphore(%run_scoped3A : memref<!tpu.dma_semaphore, #tpu.memory_space<semaphore_mem>>)
      %dma_wait3A_159 = arith.constant 0 : i32
      %dma_wait3A_160 = tpu.memref_slice %arg12[%add3A_26, %dma_wait3A_159] : memref<10240x128xbf16, #tpu.memory_space<vmem_shared>> -> memref<128x128xbf16, #tpu.memory_space<vmem_shared>>
      %dma_wait3A_161 = arith.constant 0 : i32
      %dma_wait3A_162 = tpu.memref_slice %arg12[%add3A_26, %dma_wait3A_161] : memref<10240x128xbf16, #tpu.memory_space<vmem_shared>> -> memref<128x128xbf16, #tpu.memory_space<vmem_shared>>
      tpu.wait_dma2 semaphore(%run_scoped3A : memref<!tpu.dma_semaphore, #tpu.memory_space<semaphore_mem>>) src(%arg10 : memref<128x128xbf16, #tpu.memory_space<vmem>>) dst(%dma_wait3A_162 : memref<128x128xbf16, #tpu.memory_space<vmem_shared>>)
      tpu.yield
    }) : () -> ()
    %mul3A_27 = arith.constant 640 : i32
    %mul3A_28 = arith.muli %arg1, %mul3A_27 : i32
    %add3A_29 = arith.constant 384 : i32
    %add3A_30 = arith.addi %mul3A_28, %add3A_29 : i32
    "tpu.region"() ({
      %run_scoped3A = tpu.sem_alloc : memref<!tpu.dma_semaphore, #tpu.memory_space<semaphore_mem>>
      %dma_start3A_155 = arith.constant 0 : i32
      %dma_start3A_156 = tpu.memref_slice %arg12[%add3A_30, %dma_start3A_155] : memref<10240x128xbf16, #tpu.memory_space<vmem_shared>> -> memref<128x128xbf16, #tpu.memory_space<vmem_shared>>
      %dma_start3A_157 = arith.constant 0 : i32
      %dma_start3A_158 = tpu.memref_slice %arg12[%add3A_30, %dma_start3A_157] : memref<10240x128xbf16, #tpu.memory_space<vmem_shared>> -> memref<128x128xbf16, #tpu.memory_space<vmem_shared>>
      tpu.enqueue_dma source(%arg10 : memref<128x128xbf16, #tpu.memory_space<vmem>>) target(%dma_start3A_158 : memref<128x128xbf16, #tpu.memory_space<vmem_shared>>) target_semaphore(%run_scoped3A : memref<!tpu.dma_semaphore, #tpu.memory_space<semaphore_mem>>)
      %dma_wait3A_159 = arith.constant 0 : i32
      %dma_wait3A_160 = tpu.memref_slice %arg12[%add3A_30, %dma_wait3A_159] : memref<10240x128xbf16, #tpu.memory_space<vmem_shared>> -> memref<128x128xbf16, #tpu.memory_space<vmem_shared>>
      %dma_wait3A_161 = arith.constant 0 : i32
      %dma_wait3A_162 = tpu.memref_slice %arg12[%add3A_30, %dma_wait3A_161] : memref<10240x128xbf16, #tpu.memory_space<vmem_shared>> -> memref<128x128xbf16, #tpu.memory_space<vmem_shared>>
      tpu.wait_dma2 semaphore(%run_scoped3A : memref<!tpu.dma_semaphore, #tpu.memory_space<semaphore_mem>>) src(%arg10 : memref<128x128xbf16, #tpu.memory_space<vmem>>) dst(%dma_wait3A_162 : memref<128x128xbf16, #tpu.memory_space<vmem_shared>>)
      tpu.yield
    }) : () -> ()
    %mul3A_31 = arith.constant 640 : i32
    %mul3A_32 = arith.muli %arg1, %mul3A_31 : i32
    %add3A_33 = arith.constant 512 : i32
    %add3A_34 = arith.addi %mul3A_32, %add3A_33 : i32
    "tpu.region"() ({
      %run_scoped3A = tpu.sem_alloc : memref<!tpu.dma_semaphore, #tpu.memory_space<semaphore_mem>>
      %dma_start3A_155 = arith.constant 0 : i32
      %dma_start3A_156 = tpu.memref_slice %arg12[%add3A_34, %dma_start3A_155] : memref<10240x128xbf16, #tpu.memory_space<vmem_shared>> -> memref<128x128xbf16, #tpu.memory_space<vmem_shared>>
      %dma_start3A_157 = arith.constant 0 : i32
      %dma_start3A_158 = tpu.memref_slice %arg12[%add3A_34, %dma_start3A_157] : memref<10240x128xbf16, #tpu.memory_space<vmem_shared>> -> memref<128x128xbf16, #tpu.memory_space<vmem_shared>>
      tpu.enqueue_dma source(%arg10 : memref<128x128xbf16, #tpu.memory_space<vmem>>) target(%dma_start3A_158 : memref<128x128xbf16, #tpu.memory_space<vmem_shared>>) target_semaphore(%run_scoped3A : memref<!tpu.dma_semaphore, #tpu.memory_space<semaphore_mem>>)
      %dma_wait3A_159 = arith.constant 0 : i32
      %dma_wait3A_160 = tpu.memref_slice %arg12[%add3A_34, %dma_wait3A_159] : memref<10240x128xbf16, #tpu.memory_space<vmem_shared>> -> memref<128x128xbf16, #tpu.memory_space<vmem_shared>>
      %dma_wait3A_161 = arith.constant 0 : i32
      %dma_wait3A_162 = tpu.memref_slice %arg12[%add3A_34, %dma_wait3A_161] : memref<10240x128xbf16, #tpu.memory_space<vmem_shared>> -> memref<128x128xbf16, #tpu.memory_space<vmem_shared>>
      tpu.wait_dma2 semaphore(%run_scoped3A : memref<!tpu.dma_semaphore, #tpu.memory_space<semaphore_mem>>) src(%arg10 : memref<128x128xbf16, #tpu.memory_space<vmem>>) dst(%dma_wait3A_162 : memref<128x128xbf16, #tpu.memory_space<vmem_shared>>)
      tpu.yield
    }) : () -> ()
    %barrier3A = arith.constant 0 : index
    tpu.barrier barrier_id(%barrier3A)
    %broadcast_in_dim3A_35 = arith.constant 1.000000e+00 : f32
    %broadcast_in_dim3A_36 = vector.broadcast %broadcast_in_dim3A_35 : f32 to vector<16xf32>
    %dma_start3A = arith.constant 0 : i32
    %dma_start3A_37 = arith.constant 0 : i32
    %dma_start3A_38 = arith.constant 0 : i32
    %dma_start3A_39 = arith.constant 0 : i32
    %dma_start3A_40 = tpu.memref_slice %arg9[%dma_start3A_37, %dma_start3A_38, %dma_start3A_39] : memref<8x80x128xbf16, #tpu.memory_space<vmem>> -> memref<1x80x128xbf16, #tpu.memory_space<vmem>>
    %dma_start3A_41 = tpu.memref_squeeze %dma_start3A_40 : memref<1x80x128xbf16, #tpu.memory_space<vmem>> -> memref<80x128xbf16, #tpu.memory_space<vmem>>
    %dma_start3A_42 = arith.constant 0 : i32
    %dma_start3A_43 = tpu.memref_slice %arg7[%dma_start3A, %dma_start3A_42] : memref<125x80xi32, #tpu.memory_space<vmem>> -> memref<1x80xi32, #tpu.memory_space<vmem>>
    %dma_start3A_44 = tpu.memref_squeeze %dma_start3A_43 : memref<1x80xi32, #tpu.memory_space<vmem>> -> memref<80xi32, #tpu.memory_space<vmem>>
    %dma_start3A_45 = arith.constant 0 : i32
    %dma_start3A_46 = arith.constant 0 : i32
    %dma_start3A_47 = tpu.memref_slice %arg2[%dma_start3A_45, %dma_start3A_46] : memref<10000x128xbf16, #tpu.memory_space<hbm>> -> memref<10000x128xbf16, #tpu.memory_space<hbm>>
    tpu.enqueue_indirect_dma source(%dma_start3A_47 : memref<10000x128xbf16, #tpu.memory_space<hbm>>) target(%dma_start3A_41 : memref<80x128xbf16, #tpu.memory_space<vmem>>) offsets(%dma_start3A_44 : memref<80xi32, #tpu.memory_space<vmem>>) semaphore(%arg13 : memref<!tpu.dma_semaphore, #tpu.memory_space<semaphore_mem>>)
    %dma_start3A_48 = arith.constant 1 : i32
    %dma_start3A_49 = arith.constant 1 : i32
    %dma_start3A_50 = arith.constant 0 : i32
    %dma_start3A_51 = arith.constant 0 : i32
    %dma_start3A_52 = tpu.memref_slice %arg9[%dma_start3A_49, %dma_start3A_50, %dma_start3A_51] : memref<8x80x128xbf16, #tpu.memory_space<vmem>> -> memref<1x80x128xbf16, #tpu.memory_space<vmem>>
    %dma_start3A_53 = tpu.memref_squeeze %dma_start3A_52 : memref<1x80x128xbf16, #tpu.memory_space<vmem>> -> memref<80x128xbf16, #tpu.memory_space<vmem>>
    %dma_start3A_54 = arith.constant 0 : i32
    %dma_start3A_55 = tpu.memref_slice %arg7[%dma_start3A_48, %dma_start3A_54] : memref<125x80xi32, #tpu.memory_space<vmem>> -> memref<1x80xi32, #tpu.memory_space<vmem>>
    %dma_start3A_56 = tpu.memref_squeeze %dma_start3A_55 : memref<1x80xi32, #tpu.memory_space<vmem>> -> memref<80xi32, #tpu.memory_space<vmem>>
    %dma_start3A_57 = arith.constant 0 : i32
    %dma_start3A_58 = arith.constant 0 : i32
    %dma_start3A_59 = tpu.memref_slice %arg2[%dma_start3A_57, %dma_start3A_58] : memref<10000x128xbf16, #tpu.memory_space<hbm>> -> memref<10000x128xbf16, #tpu.memory_space<hbm>>
    tpu.enqueue_indirect_dma source(%dma_start3A_59 : memref<10000x128xbf16, #tpu.memory_space<hbm>>) target(%dma_start3A_53 : memref<80x128xbf16, #tpu.memory_space<vmem>>) offsets(%dma_start3A_56 : memref<80xi32, #tpu.memory_space<vmem>>) semaphore(%arg13 : memref<!tpu.dma_semaphore, #tpu.memory_space<semaphore_mem>>)
    %dma_start3A_60 = arith.constant 2 : i32
    %dma_start3A_61 = arith.constant 2 : i32
    %dma_start3A_62 = arith.constant 0 : i32
    %dma_start3A_63 = arith.constant 0 : i32
    %dma_start3A_64 = tpu.memref_slice %arg9[%dma_start3A_61, %dma_start3A_62, %dma_start3A_63] : memref<8x80x128xbf16, #tpu.memory_space<vmem>> -> memref<1x80x128xbf16, #tpu.memory_space<vmem>>
    %dma_start3A_65 = tpu.memref_squeeze %dma_start3A_64 : memref<1x80x128xbf16, #tpu.memory_space<vmem>> -> memref<80x128xbf16, #tpu.memory_space<vmem>>
    %dma_start3A_66 = arith.constant 0 : i32
    %dma_start3A_67 = tpu.memref_slice %arg7[%dma_start3A_60, %dma_start3A_66] : memref<125x80xi32, #tpu.memory_space<vmem>> -> memref<1x80xi32, #tpu.memory_space<vmem>>
    %dma_start3A_68 = tpu.memref_squeeze %dma_start3A_67 : memref<1x80xi32, #tpu.memory_space<vmem>> -> memref<80xi32, #tpu.memory_space<vmem>>
    %dma_start3A_69 = arith.constant 0 : i32
    %dma_start3A_70 = arith.constant 0 : i32
    %dma_start3A_71 = tpu.memref_slice %arg2[%dma_start3A_69, %dma_start3A_70] : memref<10000x128xbf16, #tpu.memory_space<hbm>> -> memref<10000x128xbf16, #tpu.memory_space<hbm>>
    tpu.enqueue_indirect_dma source(%dma_start3A_71 : memref<10000x128xbf16, #tpu.memory_space<hbm>>) target(%dma_start3A_65 : memref<80x128xbf16, #tpu.memory_space<vmem>>) offsets(%dma_start3A_68 : memref<80xi32, #tpu.memory_space<vmem>>) semaphore(%arg13 : memref<!tpu.dma_semaphore, #tpu.memory_space<semaphore_mem>>)
    %dma_start3A_72 = arith.constant 3 : i32
    %dma_start3A_73 = arith.constant 3 : i32
    %dma_start3A_74 = arith.constant 0 : i32
    %dma_start3A_75 = arith.constant 0 : i32
    %dma_start3A_76 = tpu.memref_slice %arg9[%dma_start3A_73, %dma_start3A_74, %dma_start3A_75] : memref<8x80x128xbf16, #tpu.memory_space<vmem>> -> memref<1x80x128xbf16, #tpu.memory_space<vmem>>
    %dma_start3A_77 = tpu.memref_squeeze %dma_start3A_76 : memref<1x80x128xbf16, #tpu.memory_space<vmem>> -> memref<80x128xbf16, #tpu.memory_space<vmem>>
    %dma_start3A_78 = arith.constant 0 : i32
    %dma_start3A_79 = tpu.memref_slice %arg7[%dma_start3A_72, %dma_start3A_78] : memref<125x80xi32, #tpu.memory_space<vmem>> -> memref<1x80xi32, #tpu.memory_space<vmem>>
    %dma_start3A_80 = tpu.memref_squeeze %dma_start3A_79 : memref<1x80xi32, #tpu.memory_space<vmem>> -> memref<80xi32, #tpu.memory_space<vmem>>
    %dma_start3A_81 = arith.constant 0 : i32
    %dma_start3A_82 = arith.constant 0 : i32
    %dma_start3A_83 = tpu.memref_slice %arg2[%dma_start3A_81, %dma_start3A_82] : memref<10000x128xbf16, #tpu.memory_space<hbm>> -> memref<10000x128xbf16, #tpu.memory_space<hbm>>
    tpu.enqueue_indirect_dma source(%dma_start3A_83 : memref<10000x128xbf16, #tpu.memory_space<hbm>>) target(%dma_start3A_77 : memref<80x128xbf16, #tpu.memory_space<vmem>>) offsets(%dma_start3A_80 : memref<80xi32, #tpu.memory_space<vmem>>) semaphore(%arg13 : memref<!tpu.dma_semaphore, #tpu.memory_space<semaphore_mem>>)
    %dma_start3A_84 = arith.constant 4 : i32
    %dma_start3A_85 = arith.constant 4 : i32
    %dma_start3A_86 = arith.constant 0 : i32
    %dma_start3A_87 = arith.constant 0 : i32
    %dma_start3A_88 = tpu.memref_slice %arg9[%dma_start3A_85, %dma_start3A_86, %dma_start3A_87] : memref<8x80x128xbf16, #tpu.memory_space<vmem>> -> memref<1x80x128xbf16, #tpu.memory_space<vmem>>
    %dma_start3A_89 = tpu.memref_squeeze %dma_start3A_88 : memref<1x80x128xbf16, #tpu.memory_space<vmem>> -> memref<80x128xbf16, #tpu.memory_space<vmem>>
    %dma_start3A_90 = arith.constant 0 : i32
    %dma_start3A_91 = tpu.memref_slice %arg7[%dma_start3A_84, %dma_start3A_90] : memref<125x80xi32, #tpu.memory_space<vmem>> -> memref<1x80xi32, #tpu.memory_space<vmem>>
    %dma_start3A_92 = tpu.memref_squeeze %dma_start3A_91 : memref<1x80xi32, #tpu.memory_space<vmem>> -> memref<80xi32, #tpu.memory_space<vmem>>
    %dma_start3A_93 = arith.constant 0 : i32
    %dma_start3A_94 = arith.constant 0 : i32
    %dma_start3A_95 = tpu.memref_slice %arg2[%dma_start3A_93, %dma_start3A_94] : memref<10000x128xbf16, #tpu.memory_space<hbm>> -> memref<10000x128xbf16, #tpu.memory_space<hbm>>
    tpu.enqueue_indirect_dma source(%dma_start3A_95 : memref<10000x128xbf16, #tpu.memory_space<hbm>>) target(%dma_start3A_89 : memref<80x128xbf16, #tpu.memory_space<vmem>>) offsets(%dma_start3A_92 : memref<80xi32, #tpu.memory_space<vmem>>) semaphore(%arg13 : memref<!tpu.dma_semaphore, #tpu.memory_space<semaphore_mem>>)
    %dma_start3A_96 = arith.constant 5 : i32
    %dma_start3A_97 = arith.constant 5 : i32
    %dma_start3A_98 = arith.constant 0 : i32
    %dma_start3A_99 = arith.constant 0 : i32
    %dma_start3A_100 = tpu.memref_slice %arg9[%dma_start3A_97, %dma_start3A_98, %dma_start3A_99] : memref<8x80x128xbf16, #tpu.memory_space<vmem>> -> memref<1x80x128xbf16, #tpu.memory_space<vmem>>
    %dma_start3A_101 = tpu.memref_squeeze %dma_start3A_100 : memref<1x80x128xbf16, #tpu.memory_space<vmem>> -> memref<80x128xbf16, #tpu.memory_space<vmem>>
    %dma_start3A_102 = arith.constant 0 : i32
    %dma_start3A_103 = tpu.memref_slice %arg7[%dma_start3A_96, %dma_start3A_102] : memref<125x80xi32, #tpu.memory_space<vmem>> -> memref<1x80xi32, #tpu.memory_space<vmem>>
    %dma_start3A_104 = tpu.memref_squeeze %dma_start3A_103 : memref<1x80xi32, #tpu.memory_space<vmem>> -> memref<80xi32, #tpu.memory_space<vmem>>
    %dma_start3A_105 = arith.constant 0 : i32
    %dma_start3A_106 = arith.constant 0 : i32
    %dma_start3A_107 = tpu.memref_slice %arg2[%dma_start3A_105, %dma_start3A_106] : memref<10000x128xbf16, #tpu.memory_space<hbm>> -> memref<10000x128xbf16, #tpu.memory_space<hbm>>
    tpu.enqueue_indirect_dma source(%dma_start3A_107 : memref<10000x128xbf16, #tpu.memory_space<hbm>>) target(%dma_start3A_101 : memref<80x128xbf16, #tpu.memory_space<vmem>>) offsets(%dma_start3A_104 : memref<80xi32, #tpu.memory_space<vmem>>) semaphore(%arg13 : memref<!tpu.dma_semaphore, #tpu.memory_space<semaphore_mem>>)
    %dma_start3A_108 = arith.constant 6 : i32
    %dma_start3A_109 = arith.constant 6 : i32
    %dma_start3A_110 = arith.constant 0 : i32
    %dma_start3A_111 = arith.constant 0 : i32
    %dma_start3A_112 = tpu.memref_slice %arg9[%dma_start3A_109, %dma_start3A_110, %dma_start3A_111] : memref<8x80x128xbf16, #tpu.memory_space<vmem>> -> memref<1x80x128xbf16, #tpu.memory_space<vmem>>
    %dma_start3A_113 = tpu.memref_squeeze %dma_start3A_112 : memref<1x80x128xbf16, #tpu.memory_space<vmem>> -> memref<80x128xbf16, #tpu.memory_space<vmem>>
    %dma_start3A_114 = arith.constant 0 : i32
    %dma_start3A_115 = tpu.memref_slice %arg7[%dma_start3A_108, %dma_start3A_114] : memref<125x80xi32, #tpu.memory_space<vmem>> -> memref<1x80xi32, #tpu.memory_space<vmem>>
    %dma_start3A_116 = tpu.memref_squeeze %dma_start3A_115 : memref<1x80xi32, #tpu.memory_space<vmem>> -> memref<80xi32, #tpu.memory_space<vmem>>
    %dma_start3A_117 = arith.constant 0 : i32
    %dma_start3A_118 = arith.constant 0 : i32
    %dma_start3A_119 = tpu.memref_slice %arg2[%dma_start3A_117, %dma_start3A_118] : memref<10000x128xbf16, #tpu.memory_space<hbm>> -> memref<10000x128xbf16, #tpu.memory_space<hbm>>
    tpu.enqueue_indirect_dma source(%dma_start3A_119 : memref<10000x128xbf16, #tpu.memory_space<hbm>>) target(%dma_start3A_113 : memref<80x128xbf16, #tpu.memory_space<vmem>>) offsets(%dma_start3A_116 : memref<80xi32, #tpu.memory_space<vmem>>) semaphore(%arg13 : memref<!tpu.dma_semaphore, #tpu.memory_space<semaphore_mem>>)
    %dma_start3A_120 = arith.constant 7 : i32
    %dma_start3A_121 = arith.constant 7 : i32
    %dma_start3A_122 = arith.constant 0 : i32
    %dma_start3A_123 = arith.constant 0 : i32
    %dma_start3A_124 = tpu.memref_slice %arg9[%dma_start3A_121, %dma_start3A_122, %dma_start3A_123] : memref<8x80x128xbf16, #tpu.memory_space<vmem>> -> memref<1x80x128xbf16, #tpu.memory_space<vmem>>
    %dma_start3A_125 = tpu.memref_squeeze %dma_start3A_124 : memref<1x80x128xbf16, #tpu.memory_space<vmem>> -> memref<80x128xbf16, #tpu.memory_space<vmem>>
    %dma_start3A_126 = arith.constant 0 : i32
    %dma_start3A_127 = tpu.memref_slice %arg7[%dma_start3A_120, %dma_start3A_126] : memref<125x80xi32, #tpu.memory_space<vmem>> -> memref<1x80xi32, #tpu.memory_space<vmem>>
    %dma_start3A_128 = tpu.memref_squeeze %dma_start3A_127 : memref<1x80xi32, #tpu.memory_space<vmem>> -> memref<80xi32, #tpu.memory_space<vmem>>
    %dma_start3A_129 = arith.constant 0 : i32
    %dma_start3A_130 = arith.constant 0 : i32
    %dma_start3A_131 = tpu.memref_slice %arg2[%dma_start3A_129, %dma_start3A_130] : memref<10000x128xbf16, #tpu.memory_space<hbm>> -> memref<10000x128xbf16, #tpu.memory_space<hbm>>
    tpu.enqueue_indirect_dma source(%dma_start3A_131 : memref<10000x128xbf16, #tpu.memory_space<hbm>>) target(%dma_start3A_125 : memref<80x128xbf16, #tpu.memory_space<vmem>>) offsets(%dma_start3A_128 : memref<80xi32, #tpu.memory_space<vmem>>) semaphore(%arg13 : memref<!tpu.dma_semaphore, #tpu.memory_space<semaphore_mem>>)
    %scan3A_132 = arith.constant 0 : i32
    %scan3A_133 = arith.constant 0 : i32
    %scan3A_134 = arith.constant 125 : i32
    %scan3A_135 = arith.addi %scan3A_133, %scan3A_134 : i32
    %scan3A_136 = arith.constant 1 : i32
    scf.for %scan3A_155 = %scan3A_133 to %scan3A_135 step %scan3A_136  : i32 {
      %rem3A_156 = arith.constant 8 : i32
      %rem3A_157 = arith.remsi %scan3A_155, %rem3A_156 : i32
      %dma_wait3A_158 = arith.constant 0 : i32
      %dma_wait3A_159 = arith.constant 0 : i32
      %dma_wait3A_160 = tpu.memref_slice %arg9[%rem3A_157, %dma_wait3A_158, %dma_wait3A_159] : memref<8x80x128xbf16, #tpu.memory_space<vmem>> -> memref<1x80x128xbf16, #tpu.memory_space<vmem>>
      %dma_wait3A_161 = tpu.memref_squeeze %dma_wait3A_160 : memref<1x80x128xbf16, #tpu.memory_space<vmem>> -> memref<80x128xbf16, #tpu.memory_space<vmem>>
      %dma_wait3A_162 = arith.constant 0 : i32
      %dma_wait3A_163 = tpu.memref_slice %arg7[%scan3A_155, %dma_wait3A_162] : memref<125x80xi32, #tpu.memory_space<vmem>> -> memref<1x80xi32, #tpu.memory_space<vmem>>
      %dma_wait3A_164 = tpu.memref_squeeze %dma_wait3A_163 : memref<1x80xi32, #tpu.memory_space<vmem>> -> memref<80xi32, #tpu.memory_space<vmem>>
      %dma_wait3A_165 = arith.constant 0 : i32
      %dma_wait3A_166 = arith.constant 0 : i32
      %dma_wait3A_167 = tpu.memref_slice %arg2[%dma_wait3A_165, %dma_wait3A_166] : memref<10000x128xbf16, #tpu.memory_space<hbm>> -> memref<10000x128xbf16, #tpu.memory_space<hbm>>
      tpu.wait_indirect_dma semaphore(%arg13 : memref<!tpu.dma_semaphore, #tpu.memory_space<semaphore_mem>>) src(%dma_wait3A_167 : memref<10000x128xbf16, #tpu.memory_space<hbm>>) dst(%dma_wait3A_161 : memref<80x128xbf16, #tpu.memory_space<vmem>>)
      %dma_start3A_168 = arith.constant 0 : i32
      %dma_start3A_169 = arith.constant 0 : i32
      %dma_start3A_170 = tpu.memref_slice %arg9[%rem3A_157, %dma_start3A_168, %dma_start3A_169] : memref<8x80x128xbf16, #tpu.memory_space<vmem>> -> memref<1x80x128xbf16, #tpu.memory_space<vmem>>
      %dma_start3A_171 = tpu.memref_squeeze %dma_start3A_170 : memref<1x80x128xbf16, #tpu.memory_space<vmem>> -> memref<80x128xbf16, #tpu.memory_space<vmem>>
      %dma_start3A_172 = arith.constant 0 : i32
      %dma_start3A_173 = tpu.memref_slice %arg8[%scan3A_155, %dma_start3A_172] : memref<125x80xi32, #tpu.memory_space<vmem>> -> memref<1x80xi32, #tpu.memory_space<vmem>>
      %dma_start3A_174 = tpu.memref_squeeze %dma_start3A_173 : memref<1x80xi32, #tpu.memory_space<vmem>> -> memref<80xi32, #tpu.memory_space<vmem>>
      %dma_start3A_175 = arith.constant 0 : i32
      %dma_start3A_176 = arith.constant 0 : i32
      %dma_start3A_177 = tpu.memref_slice %arg12[%dma_start3A_175, %dma_start3A_176] : memref<10240x128xbf16, #tpu.memory_space<vmem_shared>> -> memref<10240x128xbf16, #tpu.memory_space<vmem_shared>>
      tpu.enqueue_indirect_dma source(%dma_start3A_171 : memref<80x128xbf16, #tpu.memory_space<vmem>>) target(%dma_start3A_177 : memref<10240x128xbf16, #tpu.memory_space<vmem_shared>>) offsets(%dma_start3A_174 : memref<80xi32, #tpu.memory_space<vmem>>) semaphore(%arg14 : memref<!tpu.dma_semaphore, #tpu.memory_space<semaphore_mem>>) {add = true}
      %get3A = arith.index_cast %scan3A_155 : i32 to index
      %get3A_178 = arith.constant 0 : index
      %get3A_179 = tpu.vector_load %arg8[%get3A, %get3A_178] {strides = array<i32>} : memref<125x80xi32, #tpu.memory_space<vmem>>, vector<16xi32>,
      tpu.vector_store_idx %arg11[%get3A_179], %broadcast_in_dim3A_36 {add = true} : memref<10240xf32, #tpu.memory_space<vmem>>[vector<16xi32>], vector<16xf32>,
      %get3A_180 = arith.index_cast %scan3A_155 : i32 to index
      %get3A_181 = arith.constant 16 : index
      %get3A_182 = tpu.vector_load %arg8[%get3A_180, %get3A_181] {strides = array<i32>} : memref<125x80xi32, #tpu.memory_space<vmem>>, vector<16xi32>,
      tpu.vector_store_idx %arg11[%get3A_182], %broadcast_in_dim3A_36 {add = true} : memref<10240xf32, #tpu.memory_space<vmem>>[vector<16xi32>], vector<16xf32>,
      %get3A_183 = arith.index_cast %scan3A_155 : i32 to index
      %get3A_184 = arith.constant 32 : index
      %get3A_185 = tpu.vector_load %arg8[%get3A_183, %get3A_184] {strides = array<i32>} : memref<125x80xi32, #tpu.memory_space<vmem>>, vector<16xi32>,
      tpu.vector_store_idx %arg11[%get3A_185], %broadcast_in_dim3A_36 {add = true} : memref<10240xf32, #tpu.memory_space<vmem>>[vector<16xi32>], vector<16xf32>,
      %get3A_186 = arith.index_cast %scan3A_155 : i32 to index
      %get3A_187 = arith.constant 48 : index
      %get3A_188 = tpu.vector_load %arg8[%get3A_186, %get3A_187] {strides = array<i32>} : memref<125x80xi32, #tpu.memory_space<vmem>>, vector<16xi32>,
      tpu.vector_store_idx %arg11[%get3A_188], %broadcast_in_dim3A_36 {add = true} : memref<10240xf32, #tpu.memory_space<vmem>>[vector<16xi32>], vector<16xf32>,
      %get3A_189 = arith.index_cast %scan3A_155 : i32 to index
      %get3A_190 = arith.constant 64 : index
      %get3A_191 = tpu.vector_load %arg8[%get3A_189, %get3A_190] {strides = array<i32>} : memref<125x80xi32, #tpu.memory_space<vmem>>, vector<16xi32>,
      tpu.vector_store_idx %arg11[%get3A_191], %broadcast_in_dim3A_36 {add = true} : memref<10240xf32, #tpu.memory_space<vmem>>[vector<16xi32>], vector<16xf32>,
      %add3A_192 = arith.constant 8 : i32
      %add3A_193 = arith.addi %scan3A_155, %add3A_192 : i32
      %sub3A = arith.constant 1 : i32
      %sub3A_194 = arith.subi %add3A_193, %sub3A : i32
      %rem3A_195 = arith.constant 8 : i32
      %rem3A_196 = arith.remsi %sub3A_194, %rem3A_195 : i32
      %ge3A = arith.constant 1 : i32
      %ge3A_197 = arith.cmpi sge, %scan3A_155, %ge3A : i32
      %convert_element_type3A = arith.extui %ge3A_197 : i1 to i32
      %cond3A = arith.constant 0 : i32
      %cond3A_198 = arith.cmpi ne, %convert_element_type3A, %cond3A : i32
      scf.if %cond3A_198 {
        %sub3A_199 = arith.constant 1 : i32
        %sub3A_200 = arith.subi %scan3A_155, %sub3A_199 : i32
        %dma_wait3A_201 = arith.constant 0 : i32
        %dma_wait3A_202 = arith.constant 0 : i32
        %dma_wait3A_203 = tpu.memref_slice %arg9[%rem3A_196, %dma_wait3A_201, %dma_wait3A_202] : memref<8x80x128xbf16, #tpu.memory_space<vmem>> -> memref<1x80x128xbf16, #tpu.memory_space<vmem>>
        %dma_wait3A_204 = tpu.memref_squeeze %dma_wait3A_203 : memref<1x80x128xbf16, #tpu.memory_space<vmem>> -> memref<80x128xbf16, #tpu.memory_space<vmem>>
        %dma_wait3A_205 = arith.constant 0 : i32
        %dma_wait3A_206 = tpu.memref_slice %arg8[%sub3A_200, %dma_wait3A_205] : memref<125x80xi32, #tpu.memory_space<vmem>> -> memref<1x80xi32, #tpu.memory_space<vmem>>
        %dma_wait3A_207 = tpu.memref_squeeze %dma_wait3A_206 : memref<1x80xi32, #tpu.memory_space<vmem>> -> memref<80xi32, #tpu.memory_space<vmem>>
        %dma_wait3A_208 = arith.constant 0 : i32
        %dma_wait3A_209 = arith.constant 0 : i32
        %dma_wait3A_210 = tpu.memref_slice %arg12[%dma_wait3A_208, %dma_wait3A_209] : memref<10240x128xbf16, #tpu.memory_space<vmem_shared>> -> memref<10240x128xbf16, #tpu.memory_space<vmem_shared>>
        tpu.wait_indirect_dma semaphore(%arg14 : memref<!tpu.dma_semaphore, #tpu.memory_space<semaphore_mem>>) src(%dma_wait3A_204 : memref<80x128xbf16, #tpu.memory_space<vmem>>) dst(%dma_wait3A_210 : memref<10240x128xbf16, #tpu.memory_space<vmem_shared>>)
        %sub3A_211 = arith.constant 1 : i32
        %sub3A_212 = arith.subi %scan3A_155, %sub3A_211 : i32
        %add3A_213 = arith.constant 8 : i32
        %add3A_214 = arith.addi %sub3A_212, %add3A_213 : i32
        %lt3A = arith.constant 125 : i32
        %lt3A_215 = arith.cmpi slt, %add3A_214, %lt3A : i32
        %convert_element_type3A_216 = arith.extui %lt3A_215 : i1 to i32
        %cond3A_217 = arith.constant 0 : i32
        %cond3A_218 = arith.cmpi ne, %convert_element_type3A_216, %cond3A_217 : i32
        scf.if %cond3A_218 {
          %sub3A_219 = arith.constant 1 : i32
          %sub3A_220 = arith.subi %scan3A_155, %sub3A_219 : i32
          %add3A_221 = arith.constant 8 : i32
          %add3A_222 = arith.addi %sub3A_220, %add3A_221 : i32
          %dma_start3A_223 = arith.constant 0 : i32
          %dma_start3A_224 = arith.constant 0 : i32
          %dma_start3A_225 = tpu.memref_slice %arg9[%rem3A_196, %dma_start3A_223, %dma_start3A_224] : memref<8x80x128xbf16, #tpu.memory_space<vmem>> -> memref<1x80x128xbf16, #tpu.memory_space<vmem>>
          %dma_start3A_226 = tpu.memref_squeeze %dma_start3A_225 : memref<1x80x128xbf16, #tpu.memory_space<vmem>> -> memref<80x128xbf16, #tpu.memory_space<vmem>>
          %dma_start3A_227 = arith.constant 0 : i32
          %dma_start3A_228 = tpu.memref_slice %arg7[%add3A_222, %dma_start3A_227] : memref<125x80xi32, #tpu.memory_space<vmem>> -> memref<1x80xi32, #tpu.memory_space<vmem>>
          %dma_start3A_229 = tpu.memref_squeeze %dma_start3A_228 : memref<1x80xi32, #tpu.memory_space<vmem>> -> memref<80xi32, #tpu.memory_space<vmem>>
          %dma_start3A_230 = arith.constant 0 : i32
          %dma_start3A_231 = arith.constant 0 : i32
          %dma_start3A_232 = tpu.memref_slice %arg2[%dma_start3A_230, %dma_start3A_231] : memref<10000x128xbf16, #tpu.memory_space<hbm>> -> memref<10000x128xbf16, #tpu.memory_space<hbm>>
          tpu.enqueue_indirect_dma source(%dma_start3A_232 : memref<10000x128xbf16, #tpu.memory_space<hbm>>) target(%dma_start3A_226 : memref<80x128xbf16, #tpu.memory_space<vmem>>) offsets(%dma_start3A_229 : memref<80xi32, #tpu.memory_space<vmem>>) semaphore(%arg13 : memref<!tpu.dma_semaphore, #tpu.memory_space<semaphore_mem>>)
        } else {
        }
      } else {
      }
    }
    %scan3A_137 = arith.constant 125 : i32
    %rem3A = arith.constant 124 : i32
    %rem3A_138 = arith.constant 8 : i32
    %rem3A_139 = arith.remsi %rem3A, %rem3A_138 : i32
    %dma_wait3A = arith.constant 124 : i32
    %dma_wait3A_140 = arith.constant 0 : i32
    %dma_wait3A_141 = arith.constant 0 : i32
    %dma_wait3A_142 = tpu.memref_slice %arg9[%rem3A_139, %dma_wait3A_140, %dma_wait3A_141] : memref<8x80x128xbf16, #tpu.memory_space<vmem>> -> memref<1x80x128xbf16, #tpu.memory_space<vmem>>
    %dma_wait3A_143 = tpu.memref_squeeze %dma_wait3A_142 : memref<1x80x128xbf16, #tpu.memory_space<vmem>> -> memref<80x128xbf16, #tpu.memory_space<vmem>>
    %dma_wait3A_144 = arith.constant 0 : i32
    %dma_wait3A_145 = tpu.memref_slice %arg8[%dma_wait3A, %dma_wait3A_144] : memref<125x80xi32, #tpu.memory_space<vmem>> -> memref<1x80xi32, #tpu.memory_space<vmem>>
    %dma_wait3A_146 = tpu.memref_squeeze %dma_wait3A_145 : memref<1x80xi32, #tpu.memory_space<vmem>> -> memref<80xi32, #tpu.memory_space<vmem>>
    %dma_wait3A_147 = arith.constant 0 : i32
    %dma_wait3A_148 = arith.constant 0 : i32
    %dma_wait3A_149 = tpu.memref_slice %arg12[%dma_wait3A_147, %dma_wait3A_148] : memref<10240x128xbf16, #tpu.memory_space<vmem_shared>> -> memref<10240x128xbf16, #tpu.memory_space<vmem_shared>>
    tpu.wait_indirect_dma semaphore(%arg14 : memref<!tpu.dma_semaphore, #tpu.memory_space<semaphore_mem>>) src(%dma_wait3A_143 : memref<80x128xbf16, #tpu.memory_space<vmem>>) dst(%dma_wait3A_149 : memref<10240x128xbf16, #tpu.memory_space<vmem_shared>>)
    %barrier3A_150 = arith.constant 0 : index
    tpu.barrier barrier_id(%barrier3A_150)
    %mul3A_151 = arith.constant 640 : i32
    %mul3A_152 = arith.muli %arg1, %mul3A_151 : i32
    %mul3A_153 = arith.constant 640 : i32
    %mul3A_154 = arith.muli %arg1, %mul3A_153 : i32
    "tpu.region"() ({
      %run_scoped3A = tpu.sem_alloc : memref<!tpu.dma_semaphore, #tpu.memory_space<semaphore_mem>>
      %dma_start3A_155 = arith.constant 0 : i32
      %dma_start3A_156 = tpu.memref_slice %arg5[%arg0, %mul3A_154, %dma_start3A_155] : memref<2x10240x128xbf16, #tpu.memory_space<hbm>> -> memref<1x640x128xbf16, #tpu.memory_space<hbm>>
      %dma_start3A_157 = tpu.memref_squeeze %dma_start3A_156 : memref<1x640x128xbf16, #tpu.memory_space<hbm>> -> memref<640x128xbf16, #tpu.memory_space<hbm>>
      %dma_start3A_158 = arith.constant 0 : i32
      %dma_start3A_159 = tpu.memref_slice %arg12[%mul3A_152, %dma_start3A_158] : memref<10240x128xbf16, #tpu.memory_space<vmem_shared>> -> memref<640x128xbf16, #tpu.memory_space<vmem_shared>>
      tpu.enqueue_dma source(%dma_start3A_159 : memref<640x128xbf16, #tpu.memory_space<vmem_shared>>) target(%dma_start3A_157 : memref<640x128xbf16, #tpu.memory_space<hbm>>) target_semaphore(%run_scoped3A : memref<!tpu.dma_semaphore, #tpu.memory_space<semaphore_mem>>)
      %dma_wait3A_160 = arith.constant 0 : i32
      %dma_wait3A_161 = tpu.memref_slice %arg5[%arg0, %mul3A_154, %dma_wait3A_160] : memref<2x10240x128xbf16, #tpu.memory_space<hbm>> -> memref<1x640x128xbf16, #tpu.memory_space<hbm>>
      %dma_wait3A_162 = tpu.memref_squeeze %dma_wait3A_161 : memref<1x640x128xbf16, #tpu.memory_space<hbm>> -> memref<640x128xbf16, #tpu.memory_space<hbm>>
      %dma_wait3A_163 = arith.constant 0 : i32
      %dma_wait3A_164 = tpu.memref_slice %arg12[%mul3A_152, %dma_wait3A_163] : memref<10240x128xbf16, #tpu.memory_space<vmem_shared>> -> memref<640x128xbf16, #tpu.memory_space<vmem_shared>>
      tpu.wait_dma2 semaphore(%run_scoped3A : memref<!tpu.dma_semaphore, #tpu.memory_space<semaphore_mem>>) src(%dma_wait3A_164 : memref<640x128xbf16, #tpu.memory_space<vmem_shared>>) dst(%dma_wait3A_162 : memref<640x128xbf16, #tpu.memory_space<hbm>>)
      tpu.yield
    }) : () -> ()
    "tpu.region"() ({
      %run_scoped3A = tpu.sem_alloc : memref<!tpu.dma_semaphore, #tpu.memory_space<semaphore_mem>>
      %dma_start3A_155 = arith.constant 0 : i32
      %dma_start3A_156 = tpu.memref_slice %arg6[%add3A, %dma_start3A_155] : memref<32x10240xf32, #tpu.memory_space<hbm>> -> memref<1x10240xf32, #tpu.memory_space<hbm>>
      %dma_start3A_157 = tpu.memref_squeeze %dma_start3A_156 : memref<1x10240xf32, #tpu.memory_space<hbm>> -> memref<10240xf32, #tpu.memory_space<hbm>>
      %dma_start3A_158 = arith.constant 0 : i32
      %dma_start3A_159 = tpu.memref_slice %arg6[%add3A, %dma_start3A_158] : memref<32x10240xf32, #tpu.memory_space<hbm>> -> memref<1x10240xf32, #tpu.memory_space<hbm>>
      %dma_start3A_160 = tpu.memref_squeeze %dma_start3A_159 : memref<1x10240xf32, #tpu.memory_space<hbm>> -> memref<10240xf32, #tpu.memory_space<hbm>>
      tpu.enqueue_dma source(%arg11 : memref<10240xf32, #tpu.memory_space<vmem>>) target(%dma_start3A_160 : memref<10240xf32, #tpu.memory_space<hbm>>) target_semaphore(%run_scoped3A : memref<!tpu.dma_semaphore, #tpu.memory_space<semaphore_mem>>)
      %dma_wait3A_161 = arith.constant 0 : i32
      %dma_wait3A_162 = tpu.memref_slice %arg6[%add3A, %dma_wait3A_161] : memref<32x10240xf32, #tpu.memory_space<hbm>> -> memref<1x10240xf32, #tpu.memory_space<hbm>>
      %dma_wait3A_163 = tpu.memref_squeeze %dma_wait3A_162 : memref<1x10240xf32, #tpu.memory_space<hbm>> -> memref<10240xf32, #tpu.memory_space<hbm>>
      %dma_wait3A_164 = arith.constant 0 : i32
      %dma_wait3A_165 = tpu.memref_slice %arg6[%add3A, %dma_wait3A_164] : memref<32x10240xf32, #tpu.memory_space<hbm>> -> memref<1x10240xf32, #tpu.memory_space<hbm>>
      %dma_wait3A_166 = tpu.memref_squeeze %dma_wait3A_165 : memref<1x10240xf32, #tpu.memory_space<hbm>> -> memref<10240xf32, #tpu.memory_space<hbm>>
      tpu.wait_dma2 semaphore(%run_scoped3A : memref<!tpu.dma_semaphore, #tpu.memory_space<semaphore_mem>>) src(%arg11 : memref<10240xf32, #tpu.memory_space<vmem>>) dst(%dma_wait3A_166 : memref<10240xf32, #tpu.memory_space<hbm>>)
      tpu.yield
    }) : () -> ()
    return
  }
}

module attributes {stable_mosaic.version = 14 : i64} {
  func.func @_dense1_body(%arg0: i32, %arg1: memref<1024x128xf32, #tpu.memory_space<vmem>>, %arg2: memref<2x1024x128xbf16, #tpu.memory_space<vmem>>, %arg3: memref<32x1024xf32, #tpu.memory_space<vmem>>, %arg4: memref<128x128xf32, #tpu.memory_space<vmem>>, %arg5: memref<128x128xf32, #tpu.memory_space<vmem>>, %arg6: memref<1x128xf32, #tpu.memory_space<vmem>>, %arg7: memref<1024x128xbf16, #tpu.memory_space<vmem>>) attributes {dimension_semantics = [#tpu.dimension_semantics<arbitrary>], iteration_bounds = array<i64: 10>, scalar_prefetch = 0 : i64, scratch_operands = 0 : i64, tpu.core_type = #tpu.core_type<tc>, window_params = [{transform_indices = @transform_0, window_bounds = array<i64: 1024, 128>}, {transform_indices = @transform_1, window_bounds = array<i64: 2, 1024, 128>}, {transform_indices = @transform_2, window_bounds = array<i64: 32, 1024>}, {pipeline_mode = #tpu.pipeline_mode<synchronous>, transform_indices = @transform_3, window_bounds = array<i64: 128, 128>}, {pipeline_mode = #tpu.pipeline_mode<synchronous>, transform_indices = @transform_4, window_bounds = array<i64: 128, 128>}, {pipeline_mode = #tpu.pipeline_mode<synchronous>, transform_indices = @transform_5, window_bounds = array<i64: 1, 128>}, {transform_indices = @transform_6, window_bounds = array<i64: 1024, 128>}]} {
    %get3A = arith.constant 0 : index
    %get3A_0 = arith.constant 0 : index
    %get3A_1 = vector.load %arg3[%get3A, %get3A_0] : memref<32x1024xf32, #tpu.memory_space<vmem>>, vector<32x1024xf32>
    %reduce_sum3A = arith.constant dense<0.000000e+00> : vector<1024xf32>
    %reduce_sum3A_2 = vector.multi_reduction <add>, %get3A_1, %reduce_sum3A [0] : vector<32x1024xf32> to vector<1024xf32>
    %max3A = arith.constant 1.000000e+00 : f32
    %max3A_3 = vector.broadcast %max3A : f32 to vector<1024xf32>
    %max3A_4 = arith.maximumf %reduce_sum3A_2, %max3A_3 : vector<1024xf32>
    %div3A = arith.constant 1.000000e+00 : f32
    %div3A_5 = vector.broadcast %div3A : f32 to vector<1024xf32>
    %div3A_6 = arith.divf %div3A_5, %max3A_4 : vector<1024xf32>
    %get3A_7 = arith.constant 0 : index
    %get3A_8 = arith.constant 0 : index
    %get3A_9 = arith.constant 0 : index
    %get3A_10 = vector.load %arg2[%get3A_7, %get3A_8, %get3A_9] : memref<2x1024x128xbf16, #tpu.memory_space<vmem>>, vector<1x1024x128xbf16>
    %get3A_11 = vector.shape_cast %get3A_10 : vector<1x1024x128xbf16> to vector<1024x128xbf16>
    %convert_element_type3A = arith.extf %get3A_11 : vector<1024x128xbf16> to vector<1024x128xf32>
    %get3A_12 = arith.constant 1 : index
    %get3A_13 = arith.constant 0 : index
    %get3A_14 = arith.constant 0 : index
    %get3A_15 = vector.load %arg2[%get3A_12, %get3A_13, %get3A_14] : memref<2x1024x128xbf16, #tpu.memory_space<vmem>>, vector<1x1024x128xbf16>
    %get3A_16 = vector.shape_cast %get3A_15 : vector<1x1024x128xbf16> to vector<1024x128xbf16>
    %convert_element_type3A_17 = arith.extf %get3A_16 : vector<1024x128xbf16> to vector<1024x128xf32>
    %add3A = arith.addf %convert_element_type3A, %convert_element_type3A_17 : vector<1024x128xf32>
    %broadcast_in_dim3A = vector.shape_cast %div3A_6 : vector<1024xf32> to vector<1024x1xf32>
    %mul3A = vector.broadcast %broadcast_in_dim3A : vector<1024x1xf32> to vector<1024x128xf32>
    %mul3A_18 = arith.mulf %add3A, %mul3A : vector<1024x128xf32>
    %get3A_19 = arith.constant 0 : index
    %get3A_20 = arith.constant 0 : index
    %get3A_21 = vector.load %arg4[%get3A_19, %get3A_20] : memref<128x128xf32, #tpu.memory_space<vmem>>, vector<128x128xf32>
    %dot_general3A = arith.constant dense<0.000000e+00> : vector<1024x128xf32>
    %dot_general3A_22 = tpu.matmul %mul3A_18, %get3A_21, %dot_general3A {dimension_numbers = #tpu.dot_dimension_numbers<[1], [0], [0], [1], [0, 0, 1, 1], [], []>, transpose_lhs_hint = false} : vector<1024x128xf32>, vector<128x128xf32>, vector<1024x128xf32> -> vector<1024x128xf32>
    %get3A_23 = arith.constant 0 : index
    %get3A_24 = arith.constant 0 : index
    %get3A_25 = vector.load %arg6[%get3A_23, %get3A_24] : memref<1x128xf32, #tpu.memory_space<vmem>>, vector<1x128xf32>
    %add3A_26 = vector.broadcast %get3A_25 : vector<1x128xf32> to vector<1024x128xf32>
    %add3A_27 = arith.addf %dot_general3A_22, %add3A_26 : vector<1024x128xf32>
    %get3A_28 = arith.constant 0 : index
    %get3A_29 = arith.constant 0 : index
    %get3A_30 = vector.load %arg1[%get3A_28, %get3A_29] : memref<1024x128xf32, #tpu.memory_space<vmem>>, vector<1024x128xf32>
    %get3A_31 = arith.constant 0 : index
    %get3A_32 = arith.constant 0 : index
    %get3A_33 = vector.load %arg5[%get3A_31, %get3A_32] : memref<128x128xf32, #tpu.memory_space<vmem>>, vector<128x128xf32>
    %dot_general3A_34 = arith.constant dense<0.000000e+00> : vector<1024x128xf32>
    %dot_general3A_35 = tpu.matmul %get3A_30, %get3A_33, %dot_general3A_34 {dimension_numbers = #tpu.dot_dimension_numbers<[1], [0], [0], [1], [0, 0, 1, 1], [], []>, transpose_lhs_hint = false} : vector<1024x128xf32>, vector<128x128xf32>, vector<1024x128xf32> -> vector<1024x128xf32>
    %add3A_36 = arith.addf %add3A_27, %dot_general3A_35 : vector<1024x128xf32>
    %max3A_37 = arith.constant 0.000000e+00 : f32
    %max3A_38 = vector.broadcast %max3A_37 : f32 to vector<1024x128xf32>
    %max3A_39 = arith.maximumf %add3A_36, %max3A_38 : vector<1024x128xf32>
    %convert_element_type3A_40 = arith.truncf %max3A_39 : vector<1024x128xf32> to vector<1024x128xbf16>
    %swap3A = arith.constant 0 : index
    %swap3A_41 = arith.constant 0 : index
    %swap3A_42 = vector.load %arg7[%swap3A, %swap3A_41] : memref<1024x128xbf16, #tpu.memory_space<vmem>>, vector<1024x128xbf16>
    tpu.vector_store %arg7[%swap3A, %swap3A_41], %convert_element_type3A_40 {strides = array<i32>} : memref<1024x128xbf16, #tpu.memory_space<vmem>>, vector<1024x128xbf16>,
    return
  }
  func.func @transform_0(%arg0: i32) -> (i32, i32) {
    %c0_i32 = arith.constant 0 : i32
    %c0_i32_0 = arith.constant 0 : i32
    return %arg0, %c0_i32 : i32, i32
  }
  func.func @transform_1(%arg0: i32) -> (i32, i32, i32) {
    %c0_i32 = arith.constant 0 : i32
    %c0_i32_0 = arith.constant 0 : i32
    %c0_i32_1 = arith.constant 0 : i32
    return %c0_i32, %arg0, %c0_i32_0 : i32, i32, i32
  }
  func.func @transform_2(%arg0: i32) -> (i32, i32) {
    %c0_i32 = arith.constant 0 : i32
    %c0_i32_0 = arith.constant 0 : i32
    return %c0_i32, %arg0 : i32, i32
  }
  func.func @transform_3(%arg0: i32) -> (i32, i32) {
    %c0_i32 = arith.constant 0 : i32
    %c0_i32_0 = arith.constant 0 : i32
    %c0_i32_1 = arith.constant 0 : i32
    return %c0_i32, %c0_i32_0 : i32, i32
  }
  func.func @transform_4(%arg0: i32) -> (i32, i32) {
    %c0_i32 = arith.constant 0 : i32
    %c0_i32_0 = arith.constant 0 : i32
    %c0_i32_1 = arith.constant 0 : i32
    return %c0_i32, %c0_i32_0 : i32, i32
  }
  func.func @transform_5(%arg0: i32) -> (i32, i32) {
    %c0_i32 = arith.constant 0 : i32
    %c0_i32_0 = arith.constant 0 : i32
    %c0_i32_1 = arith.constant 0 : i32
    return %c0_i32, %c0_i32_0 : i32, i32
  }
  func.func @transform_6(%arg0: i32) -> (i32, i32) {
    %c0_i32 = arith.constant 0 : i32
    %c0_i32_0 = arith.constant 0 : i32
    return %arg0, %c0_i32 : i32, i32
  }
}

module attributes {stable_mosaic.version = 14 : i64} {
  func.func @_dense2_body(%arg0: i32, %arg1: memref<1024x128xbf16, #tpu.memory_space<vmem>>, %arg2: memref<2x1024x128xbf16, #tpu.memory_space<vmem>>, %arg3: memref<32x1024xf32, #tpu.memory_space<vmem>>, %arg4: memref<128x128xf32, #tpu.memory_space<vmem>>, %arg5: memref<128x128xf32, #tpu.memory_space<vmem>>, %arg6: memref<1x128xf32, #tpu.memory_space<vmem>>, %arg7: memref<1x128xf32, #tpu.memory_space<vmem>>, %arg8: memref<1x1xf32, #tpu.memory_space<vmem>>, %arg9: memref<1024x1xf32, #tpu.memory_space<vmem>>) attributes {dimension_semantics = [#tpu.dimension_semantics<arbitrary>], iteration_bounds = array<i64: 10>, scalar_prefetch = 0 : i64, scratch_operands = 0 : i64, tpu.core_type = #tpu.core_type<tc>, window_params = [{transform_indices = @transform_0, window_bounds = array<i64: 1024, 128>}, {transform_indices = @transform_1, window_bounds = array<i64: 2, 1024, 128>}, {transform_indices = @transform_2, window_bounds = array<i64: 32, 1024>}, {pipeline_mode = #tpu.pipeline_mode<synchronous>, transform_indices = @transform_3, window_bounds = array<i64: 128, 128>}, {pipeline_mode = #tpu.pipeline_mode<synchronous>, transform_indices = @transform_4, window_bounds = array<i64: 128, 128>}, {pipeline_mode = #tpu.pipeline_mode<synchronous>, transform_indices = @transform_5, window_bounds = array<i64: 1, 128>}, {pipeline_mode = #tpu.pipeline_mode<synchronous>, transform_indices = @transform_6, window_bounds = array<i64: 1, 128>}, {pipeline_mode = #tpu.pipeline_mode<synchronous>, transform_indices = @transform_7, window_bounds = array<i64: 1, 1>}, {transform_indices = @transform_8, window_bounds = array<i64: 1024, 1>}]} {
    %get3A = arith.constant 0 : index
    %get3A_0 = arith.constant 0 : index
    %get3A_1 = vector.load %arg3[%get3A, %get3A_0] : memref<32x1024xf32, #tpu.memory_space<vmem>>, vector<32x1024xf32>
    %reduce_sum3A = arith.constant dense<0.000000e+00> : vector<1024xf32>
    %reduce_sum3A_2 = vector.multi_reduction <add>, %get3A_1, %reduce_sum3A [0] : vector<32x1024xf32> to vector<1024xf32>
    %max3A = arith.constant 1.000000e+00 : f32
    %max3A_3 = vector.broadcast %max3A : f32 to vector<1024xf32>
    %max3A_4 = arith.maximumf %reduce_sum3A_2, %max3A_3 : vector<1024xf32>
    %div3A = arith.constant 1.000000e+00 : f32
    %div3A_5 = vector.broadcast %div3A : f32 to vector<1024xf32>
    %div3A_6 = arith.divf %div3A_5, %max3A_4 : vector<1024xf32>
    %get3A_7 = arith.constant 0 : index
    %get3A_8 = arith.constant 0 : index
    %get3A_9 = arith.constant 0 : index
    %get3A_10 = vector.load %arg2[%get3A_7, %get3A_8, %get3A_9] : memref<2x1024x128xbf16, #tpu.memory_space<vmem>>, vector<1x1024x128xbf16>
    %get3A_11 = vector.shape_cast %get3A_10 : vector<1x1024x128xbf16> to vector<1024x128xbf16>
    %convert_element_type3A = arith.extf %get3A_11 : vector<1024x128xbf16> to vector<1024x128xf32>
    %get3A_12 = arith.constant 1 : index
    %get3A_13 = arith.constant 0 : index
    %get3A_14 = arith.constant 0 : index
    %get3A_15 = vector.load %arg2[%get3A_12, %get3A_13, %get3A_14] : memref<2x1024x128xbf16, #tpu.memory_space<vmem>>, vector<1x1024x128xbf16>
    %get3A_16 = vector.shape_cast %get3A_15 : vector<1x1024x128xbf16> to vector<1024x128xbf16>
    %convert_element_type3A_17 = arith.extf %get3A_16 : vector<1024x128xbf16> to vector<1024x128xf32>
    %add3A = arith.addf %convert_element_type3A, %convert_element_type3A_17 : vector<1024x128xf32>
    %broadcast_in_dim3A = vector.shape_cast %div3A_6 : vector<1024xf32> to vector<1024x1xf32>
    %mul3A = vector.broadcast %broadcast_in_dim3A : vector<1024x1xf32> to vector<1024x128xf32>
    %mul3A_18 = arith.mulf %add3A, %mul3A : vector<1024x128xf32>
    %get3A_19 = arith.constant 0 : index
    %get3A_20 = arith.constant 0 : index
    %get3A_21 = vector.load %arg4[%get3A_19, %get3A_20] : memref<128x128xf32, #tpu.memory_space<vmem>>, vector<128x128xf32>
    %dot_general3A = arith.constant dense<0.000000e+00> : vector<1024x128xf32>
    %dot_general3A_22 = tpu.matmul %mul3A_18, %get3A_21, %dot_general3A {dimension_numbers = #tpu.dot_dimension_numbers<[1], [0], [0], [1], [0, 0, 1, 1], [], []>, transpose_lhs_hint = false} : vector<1024x128xf32>, vector<128x128xf32>, vector<1024x128xf32> -> vector<1024x128xf32>
    %get3A_23 = arith.constant 0 : index
    %get3A_24 = arith.constant 0 : index
    %get3A_25 = vector.load %arg6[%get3A_23, %get3A_24] : memref<1x128xf32, #tpu.memory_space<vmem>>, vector<1x128xf32>
    %add3A_26 = vector.broadcast %get3A_25 : vector<1x128xf32> to vector<1024x128xf32>
    %add3A_27 = arith.addf %dot_general3A_22, %add3A_26 : vector<1024x128xf32>
    %get3A_28 = arith.constant 0 : index
    %get3A_29 = arith.constant 0 : index
    %get3A_30 = vector.load %arg1[%get3A_28, %get3A_29] : memref<1024x128xbf16, #tpu.memory_space<vmem>>, vector<1024x128xbf16>
    %get3A_31 = arith.constant 0 : index
    %get3A_32 = arith.constant 0 : index
    %get3A_33 = vector.load %arg5[%get3A_31, %get3A_32] : memref<128x128xf32, #tpu.memory_space<vmem>>, vector<128x128xf32>
    %dot_general3A_34 = arith.constant dense<0.000000e+00> : vector<1024x128xf32>
    %dot_general3A_35 = tpu.matmul %get3A_30, %get3A_33, %dot_general3A_34 {dimension_numbers = #tpu.dot_dimension_numbers<[1], [0], [0], [1], [0, 0, 1, 1], [], []>, transpose_lhs_hint = false} : vector<1024x128xbf16>, vector<128x128xf32>, vector<1024x128xf32> -> vector<1024x128xf32>
    %add3A_36 = arith.addf %add3A_27, %dot_general3A_35 : vector<1024x128xf32>
    %max3A_37 = arith.constant 0.000000e+00 : f32
    %max3A_38 = vector.broadcast %max3A_37 : f32 to vector<1024x128xf32>
    %max3A_39 = arith.maximumf %add3A_36, %max3A_38 : vector<1024x128xf32>
    %get3A_40 = arith.constant 0 : index
    %get3A_41 = arith.constant 0 : index
    %get3A_42 = vector.load %arg7[%get3A_40, %get3A_41] : memref<1x128xf32, #tpu.memory_space<vmem>>, vector<1x128xf32>
    %mul3A_43 = vector.broadcast %get3A_42 : vector<1x128xf32> to vector<1024x128xf32>
    %mul3A_44 = arith.mulf %max3A_39, %mul3A_43 : vector<1024x128xf32>
    %reduce_sum3A_45 = arith.constant dense<0.000000e+00> : vector<1024xf32>
    %reduce_sum3A_46 = vector.multi_reduction <add>, %mul3A_44, %reduce_sum3A_45 [1] : vector<1024x128xf32> to vector<1024xf32>
    %broadcast_in_dim3A_47 = vector.shape_cast %reduce_sum3A_46 : vector<1024xf32> to vector<1024x1xf32>
    %get3A_48 = arith.constant 0 : index
    %get3A_49 = arith.constant 0 : index
    %get3A_50 = vector.load %arg8[%get3A_48, %get3A_49] : memref<1x1xf32, #tpu.memory_space<vmem>>, vector<1x1xf32>
    %get3A_51 = vector.extract %get3A_50[0, 0] : f32 from vector<1x1xf32>
    %add3A_52 = vector.broadcast %get3A_51 : f32 to vector<1024x1xf32>
    %add3A_53 = arith.addf %broadcast_in_dim3A_47, %add3A_52 : vector<1024x1xf32>
    %swap3A = arith.constant 0 : index
    %swap3A_54 = arith.constant 0 : index
    %swap3A_55 = vector.load %arg9[%swap3A, %swap3A_54] : memref<1024x1xf32, #tpu.memory_space<vmem>>, vector<1024x1xf32>
    tpu.vector_store %arg9[%swap3A, %swap3A_54], %add3A_53 {strides = array<i32>} : memref<1024x1xf32, #tpu.memory_space<vmem>>, vector<1024x1xf32>,
    return
  }
  func.func @transform_0(%arg0: i32) -> (i32, i32) {
    %c0_i32 = arith.constant 0 : i32
    %c0_i32_0 = arith.constant 0 : i32
    return %arg0, %c0_i32 : i32, i32
  }
  func.func @transform_1(%arg0: i32) -> (i32, i32, i32) {
    %c0_i32 = arith.constant 0 : i32
    %c0_i32_0 = arith.constant 0 : i32
    %c0_i32_1 = arith.constant 0 : i32
    return %c0_i32, %arg0, %c0_i32_0 : i32, i32, i32
  }
  func.func @transform_2(%arg0: i32) -> (i32, i32) {
    %c0_i32 = arith.constant 0 : i32
    %c0_i32_0 = arith.constant 0 : i32
    return %c0_i32, %arg0 : i32, i32
  }
  func.func @transform_3(%arg0: i32) -> (i32, i32) {
    %c0_i32 = arith.constant 0 : i32
    %c0_i32_0 = arith.constant 0 : i32
    %c0_i32_1 = arith.constant 0 : i32
    return %c0_i32, %c0_i32_0 : i32, i32
  }
  func.func @transform_4(%arg0: i32) -> (i32, i32) {
    %c0_i32 = arith.constant 0 : i32
    %c0_i32_0 = arith.constant 0 : i32
    %c0_i32_1 = arith.constant 0 : i32
    return %c0_i32, %c0_i32_0 : i32, i32
  }
  func.func @transform_5(%arg0: i32) -> (i32, i32) {
    %c0_i32 = arith.constant 0 : i32
    %c0_i32_0 = arith.constant 0 : i32
    %c0_i32_1 = arith.constant 0 : i32
    return %c0_i32, %c0_i32_0 : i32, i32
  }
  func.func @transform_6(%arg0: i32) -> (i32, i32) {
    %c0_i32 = arith.constant 0 : i32
    %c0_i32_0 = arith.constant 0 : i32
    %c0_i32_1 = arith.constant 0 : i32
    return %c0_i32, %c0_i32_0 : i32, i32
  }
  func.func @transform_7(%arg0: i32) -> (i32, i32) {
    %c0_i32 = arith.constant 0 : i32
    %c0_i32_0 = arith.constant 0 : i32
    %c0_i32_1 = arith.constant 0 : i32
    return %c0_i32, %c0_i32_0 : i32, i32
  }
  func.func @transform_8(%arg0: i32) -> (i32, i32) {
    %c0_i32 = arith.constant 0 : i32
    %c0_i32_0 = arith.constant 0 : i32
    return %arg0, %c0_i32 : i32, i32
  }
}

</mosaic_0001>

<sc_bundles>
// kernel: kernel.6.cloned.1.call-start
scs
__scs_entry_jumppad:
0x0: {  	(pc) =	sbr.rel $0x88, $3  }
0x1: {  	(tag) =	ssettag $0x0;
	lr =	simm.s32 $0x1  }
0x2: {  	[smem:$0x3F97] =	sst lr;
	_ =	strace $0xD0000000  }
0x3: {  	_ = 	snop  }
0x4: {  	_ = 	snop  }
0x5: {  	_ = 	snop  }
0x6: {  	_ = 	snop  }
0x7: {  	_ = 	snop  }
__scs_overlays_trampoline_lowered:
0x8: {  	[smem:$0x3FA6] =	sst s0  }
0x9: {  	[smem:$0x3FA7] =	sst s1  }
0xa: {  	[smem:$0x3FA8] =	sst s2  }
0xb: {  	[smem:$0x3FA9] =	sst s3  }
0xc: {  	[smem:$0x3FAA] =	sst s4  }
0xd: {  	[smem:$0x3FAB] =	sst s5  }
0xe: {  	[smem:$0x3FAC] =	sst s6  }
0xf: {  	[smem:$0x3FAD] =	sst s7  }
0x10: {  	[smem:$0x3FAE] =	sst s8  }
0x11: {  	[smem:$0x3FAF] =	sst s9;
	s0 =	simm.s32 @!p0 $0x0  }
0x12: {  	s1 =	sld [smem:$0x3F95];
	s0 =	simm.s32 @p0 $0x1  }
0x13: {  	[smem:$0x3FB0] =	sst s0;
	s0 =	simm.s32 @!p1 $0x0  }
0x14: {  	s2 =	sld [smem:$0x3F94];
	s0 =	simm.s32 @p1 $0x1  }
0x15: {  	[smem:$0x3FB1] =	sst s0;
	s0 =	simm.s32 @!p2 $0x0  }
0x16: {  	s3 =	sld [smem:$0x3FDB];
	s0 =	simm.s32 @p2 $0x1  }
0x17: {  	s4 =	simm.s32 $0x1BF5;
	[smem:$0x3FB3] =	sst s0  }
0x18: {  	s0 =	sld [smem:$0x3F96];
	_ =	swait.ge [sflag:s4], $0x0  }
0x19: {  	s7 =	sld [smem:$0x3F97]  }
0x1a: {  	s8 =	sadd.s32 $0xFFFFE003, lr  }
0x1b: {  	s9 =	sadd.s32 $0xFFFFFEF7, lr;
	s5 =	simm.s32 $0xFFFFFFFF;
	p2 =	slt.u32 s8, $0xFFFFF086  }
0x1c: {  	p1 =	slt.u32 s9, $0xF7A;
	s5 =	simm.s32 @!p2 $0x0  }
0x1d: {  	s5 =	simm.s32 @p1 $0x1;
	p0 =	seq.s32 s7, s2  }
0x1e: {  	s7 =	smul.u32 @!p0 $0xF7A, s2;
	p2 =	seq.s32 @!p0 s5, $0x0  }
0x1f: {  	s9 =	smul.u32 $0xF7A, s1;
	s8 =	simm.s32 @!p0 $0x1BF5;
	p2 =	por !p2, p0  }
0x20: {  	[sflag:s8] =	ssyncset.s32 @!p0 $0xFFFFF086;
	s6 =	sadd.s32 @!p0 s3, s7;
	s7 =	simm.s32 @!p0 $0x108  }
0x21: {  	s3 =	sadd.s32 s3, s9;
	s6 =	sadd.s32 @!p0 $0x88, s6;
	s7 =	simm.s32 @p2 $0x1082  }
0x22: {  	[simem:s7], [sflag:s8] =	dma.local @!p0 [hbm:s6], $0xF7A  }
0x23: {  	s9 =	sor.u32 $0xD0000000, s2;
	s6 =	simm.s32 $0x108;
	_ =	swait.ge @!p0 [sflag:s8], $0x0  }
0x24: {  	s3 =	sadd.s32 $0x88, s3;
	s6 =	simm.s32 @!p1 $0x1082;
	[sflag:s4] =	ssyncset.s32 $0xFFFFF086  }
0x25: {  	[simem:s6], [sflag:s4] =	dma.local [hbm:s3], $0xF7A  }
0x26: {  	[smem:$0x3F97] =	sst s1;
	(tag) =	ssettag s2;
	_ =	strace s9  }
0x27: {  	s1 =	sld [smem:$0x3FA7]  }
0x28: {  	s2 =	sld [smem:$0x3FA8]  }
0x29: {  	s4 =	sld [smem:$0x3FAA]  }
0x2a: {  	p0 =	seq.s32 s5, $0x0;
	s5 =	sld [smem:$0x3FAB]  }
0x2b: {  	s6 =	sld [smem:$0x3FAC]  }
0x2c: {  	s7 =	sld [smem:$0x3FAD]  }
0x2d: {  	s3 =	simm.s32 $0x108;
	s8 =	sld [smem:$0x3FAE]  }
0x2e: {  	s3 =	simm.s32 @!p0 $0x1082;
	s9 =	sld [smem:$0x3FAF]  }
0x2f: {  	lr =	sadd.s32 s0, s3;
	s0 =	sld [smem:$0x3FA6]  }
0x30: {  	s3 =	sld [smem:$0x3FA9]  }
0x31: {  	[smem:$0x3FB2] =	sst s10  }
0x32: {  	s10 =	sld [smem:$0x3FB0];
	_ =	sdelay $0x3  }
0x33: {  	p0 =	seq.s32 s10, $0x1;
	s10 =	sld [smem:$0x3FB2];
	_ =	sdelay $0x3  }
0x34: {  	[smem:$0x3FB2] =	sst s10  }
0x35: {  	s10 =	sld [smem:$0x3FB1];
	_ =	sdelay $0x3  }
0x36: {  	p1 =	seq.s32 s10, $0x1;
	s10 =	sld [smem:$0x3FB2];
	_ =	sdelay $0x3  }
0x37: {  	[smem:$0x3FB2] =	sst s10  }
0x38: {  	s10 =	sld [smem:$0x3FB3]  }
0x39: {  	_ = 	snop;
	(pc) =	sbr.ind lr, $3  }
0x3a: {  	_ = 	snop  }
0x3b: {  	_ = 	snop  }
0x3c: {  	p2 =	seq.s32 s10, $0x1;
	s10 =	sld [smem:$0x3FB2]  }
0x3d: {  	_ =	shalt  }
0x3e: {  	_ =	shalt  }
0x3f: {  	_ =	shalt  }
0x40: {  	_ =	shalt  }
0x41: {  	_ =	shalt  }
0x42: {  	_ =	shalt  }
0x43: {  	_ =	shalt  }
0x44: {  	_ =	shalt  }
0x45: {  	_ =	shalt  }
0x46: {  	_ =	shalt  }
0x47: {  	_ =	shalt  }
0x48: {  	_ =	shalt  }
0x49: {  	_ =	shalt  }
0x4a: {  	_ =	shalt  }
0x4b: {  	_ =	shalt  }
0x4c: {  	_ =	shalt  }
0x4d: {  	_ =	shalt  }
0x4e: {  	_ =	shalt  }
0x4f: {  	_ =	shalt  }
0x50: {  	_ =	shalt  }
0x51: {  	_ =	shalt  }
0x52: {  	_ =	shalt  }
0x53: {  	_ =	shalt  }
0x54: {  	_ =	shalt  }
0x55: {  	_ =	shalt  }
0x56: {  	_ =	shalt  }
0x57: {  	_ =	shalt  }
0x58: {  	_ =	shalt  }
0x59: {  	_ =	shalt  }
0x5a: {  	_ =	shalt  }
0x5b: {  	_ =	shalt  }
0x5c: {  	_ =	shalt  }
0x5d: {  	_ =	shalt  }
0x5e: {  	_ =	shalt  }
0x5f: {  	_ =	shalt  }
0x60: {  	_ =	shalt  }
0x61: {  	_ =	shalt  }
0x62: {  	_ =	shalt  }
0x63: {  	_ =	shalt  }
0x64: {  	_ =	shalt  }
0x65: {  	_ =	shalt  }
0x66: {  	_ =	shalt  }
0x67: {  	_ =	shalt  }
0x68: {  	_ =	shalt  }
0x69: {  	_ =	shalt  }
0x6a: {  	_ =	shalt  }
0x6b: {  	_ =	shalt  }
0x6c: {  	_ =	shalt  }
0x6d: {  	_ =	shalt  }
0x6e: {  	_ =	shalt  }
0x6f: {  	_ =	shalt  }
0x70: {  	_ =	shalt  }
0x71: {  	_ =	shalt  }
0x72: {  	_ =	shalt  }
0x73: {  	_ =	shalt  }
0x74: {  	_ =	shalt  }
0x75: {  	_ =	shalt  }
0x76: {  	_ =	shalt  }
0x77: {  	_ =	shalt  }
0x78: {  	_ =	shalt  }
0x79: {  	_ =	shalt  }
0x7a: {  	_ =	shalt  }
0x7b: {  	_ =	shalt  }
0x7c: {  	_ =	shalt  }
0x7d: {  	_ =	shalt  }
0x7e: {  	_ =	shalt  }
0x7f: {  	_ =	shalt  }
0x80: {  	_ =	shalt  }
0x81: {  	_ =	shalt  }
0x82: {  	_ =	shalt  }
0x83: {  	_ =	shalt  }
0x84: {  	_ =	shalt  }
0x85: {  	_ =	shalt  }
0x86: {  	_ =	shalt  }
0x87: {  	_ =	shalt  }
.Lfunc_end0:
.L_simem_size_0:
called_computation_lowered:
.L_overlay_start_0:
0x88: {  	s2 =	sld [smem:$0x3FD9]  }
0x89: {  	s3 =	sld [smem:$0x3FFE];
	_ =	sdelay $0x1  }
0x8a: {  	s1 =	srdreg.scid  }
0x8b: {  	s0 =	sand.u32 $0x1, s1  }
0x8c: {  	s16 =	sshll.u32 s0, $0xA;
	s2 =	sadd.s32 s3, s2  }
0x8d: {  	s2 =	sadd.s32 s2, s16  }
0x8e: {  	[smem:$0x3FBE] =	sst s2  }
0x8f: {  	_ = 	snop  }
0x90: {  	(tm) =	ssettm $0x1  }
0x91: {  	s17 =	sld [smem:$0x3FFB];
	_ =	sdelay $0x3  }
0x92: {  	_ =	strace s17  }
0x93: {  	s2 =	sld [smem:$0x3FFC];
	_ =	sdelay $0x3  }
0x94: {  	_ =	strace s2  }
0x95: {  	s2 =	sld [smem:$0x3FFD];
	_ =	sdelay $0x3  }
0x96: {  	_ =	strace s2  }
0x97: {  	_ =	strace $0x8FFFFFFF  }
0x98: {  	s18 =	sld [smem:$0x3FDB];
	_ =	sdelay $0x1  }
0x99: {  	s19 =	simm.s32 $_scs_section_size  }
0x9a: {  	s4 =	simm.s32 $_size__tile_overlayer_lowered;
	s5 =	simm.s32 $_tile_overlayer_lowered  }
0x9b: {  	s22 =	simm.s32 $0x1BFF;
	s21 =	sshll.u32 s5, $0x1;
	s2 =	sadd.s32 s19, s18  }
0x9c: {  	s6 =	simm.s32 $0x0;
	s20 =	sshll.u32 s4, $0x1;
	s4 =	sadd.s32 s21, s2  }
0x9d: {  	[timem:s6], [sflag:s22] =	dma.local [hbm:s4], s20  }
0x9e: {  	_ =	swait.ge [sflag:s22], s20  }
0x9f: {  	s3 =	ssub.s32 $0x0, s20;
	[sflag:s22] =	ssyncset.done $0x0  }
0xa0: {  	[sflag:s22] =	ssyncadd.s32 s3;
	_ =	sdelay $0x1  }
0xa1: {  	s23 =	simm.s32 $0x1B8B  }
0xa2: {  	_ =	swait.ge [sflag:s23], $0x1  }
0xa3: {  	[sflag:s23] =	ssyncset.done $0x0  }
0xa4: {  	s25 =	simm.s32 $0x1B8E;
	s24 =	sld [smem:$0x3FFE];
	[sflag:s23] =	ssyncadd.s32 $0xFFFFFFFF  }
0xa5: {  	s26 =	simm.s32 $execute0_lowered;
	[smem:$0x3FD2] =	sst s25  }
0xa6: {  	s4 =	sshll.u32 s26, $0x1;
	_ =	strace $0x80000046;
	[dreg:$0x1] =	wrdreg $0xFFFFFFFF  }
0xa7: {  	s28 =	simm.s32 $_size_execute0_lowered;
	s2 =	sadd.s32 s2, s4;
	[dreg:$0x0] =	wrdreg $0x0  }
0xa8: {  	s4 =	sshll.u32 s28, $0x1;
	[dreg:$0x2] =	wrdreg s2  }
0xa9: {  	[dreg:$0x3] =	wrdreg s4  }
0xaa: {  	[dreg:$0x4] =	wrdreg $0xC0  }
0xab: {  	_ =	task [dreg:s6], $0x5FFFF  }
0xac: {  	[dreg:$0x1] =	wrdreg $0xFFFFFFFF  }
0xad: {  	[dreg:$0x0] =	wrdreg $0x60  }
0xae: {  	[dreg:$0x2] =	wrdreg s24  }
0xaf: {  	[dreg:$0x3] =	wrdreg $0x136200  }
0xb0: {  	[dreg:$0x4] =	wrdreg $0x9  }
0xb1: {  	_ =	task.clear_ibuf [dreg:s6], $0x5FFFF;
	_ =	strace $0x90000046  }
0xb2: {  	s29 =	simm.s32 $0x9;
	_ =	strace $0x80000048  }
0xb3: {  	_ =	swait.ge [sflag:s29], $0x1  }
0xb4: {  	[sflag:s29] =	ssyncadd.s32 $0xFFFFFFFF  }
0xb5: {  	_ =	strace $0x90000048  }
0xb6: {  	_ =	sfence  }
0xb7: {  	s30 =	sld [smem:$0x0];
	_ =	sdelay $0x2  }
0xb8: {  	s31 =	sshll.u32 s1, $0xD;
	s1 =	sshrl.u32 s1, $0x2  }
0xb9: {  	s3 =	sand.u32 $0x4000, s31;
	s1 =	sadd.s32 s1, s30  }
0xba: {  	s0 =	sor.u32 s3, s0;
	s1 =	sshll.u32 s1, $0x11  }
0xbb: {  	s0 =	sor.u32 s1, s0  }
0xbc: {  	s0 =	sadd.s32 $0x8F2B, s0  }
0xbd: {  	[sflag:s0] =	ssyncadd.remote.s32 $0x1  }
0xbe: {  	_ =	sfence.sel $0xFFFF  }
0xbf: {  	[dreg:$0x0] =	wrdreg $0xFFFFFFFF;
	(pc) =	sbr.abs _section_cstart, $3  }
0xc0: {  	[dreg:$0x1] =	wrdreg $0xFFFFFFFF  }
0xc1: {  	_ =	task.clear_ibuf [dreg:s6], $0x2FFFF;
	_ =	strace $0x9FFFFFFF  }
0xc2: {  	(tm) =	ssettm $0x7FFFFFFF  }
0xc3: {  	_ =	shalt  }
tec
execute0_lowered:
.L_overlay_start_1:
0x0: {  	(tag) =	ssettag $0x1  }
0x1: {  	s0 =	srdreg.scid;
	s5 =	rddreg [dreg:$0x0]  }
0x2: {  	s9 =	stileid.u32;
	s2 =	rddreg [dreg:$0x1];
	s3 =	simm.s32 $0x0  }
0x3: {  	s15 =	simm.s32 $0x3;
	s16 =	simm.s32 $0x2710;
	s17 =	simm.s32 $0xEE20  }
0x4: {  	s18 =	simm.s32 $0x50;
	s19 =	simm.s32 $0x4E20;
	s30 =	simm.s32 $0x1E0  }
0x5: {  	s31 =	simm.s32 $0xC620;
	s20 =	simm.s32 $0x1;
	s21 =	simm.s32 $0x10E20  }
0x6: {  	s22 =	simm.s32 $0x2;
	s23 =	simm.s32 $0x0;
	s7 =	smul.u32 $0x14000, s9  }
0x7: {  	s0 =	sand.u32 $0x1, s0;
	s1 =	sshll.u32 s9, $0x1;
	s9 =	smul.u32 $0x28000, s9  }
0x8: {  	[smem:$0x7FF] =	sst s3;
	s1 =	sor.u32 s0, s1;
	s8 =	smul.u32 $0x140000, s0  }
0x9: {  	s4 =	sadd.s32 $0x15000, s5;
	s0 =	ssub.s32 $0x2, s0;
	s6 =	smul.u32 $0x4E2, s1  }
0xa: {  	_ =	strace $0x80000047;
	s1 =	smul.u32 $0x500, s1;
	s28 =	sshrl.u32 s0, $0x1  }
0xb: {  	s29 =	sshrl.u32 s9, $0x2;
	s8 =	sadd.s32 s7, s8;
	s0 =	ssub.s32 s0, s28  }
0xc: {  	s7 =	sshrl.u32 s7, $0x1;
	s11 =	sadd.s32 s29, s2;
	s6 =	sadd.s32 s6, s5  }
0xd: {  	s8 =	sshrl.u32 s8, $0x4;
	s1 =	sadd.s32 s1, s5;
	s7 =	sadd.s32 s7, s2  }
0xe: {  	s9 =	sadd.s32 $0x4000, s11;
	s10 =	sadd.s32 $0x6000, s11;
	s14 =	smax.u32 s0, $0x1  }
0xf: {  	s0 =	simm.s32 $0xDA20;
	s12 =	sadd.s32 s8, s5;
	s5 =	sadd.s32 $0xB200, s6  }
0x10: {  	s6 =	sadd.s32 $0x1400, s6;
	s8 =	sadd.s32 $0x2000, s11;
	s11 =	sadd.s32 $0x8000, s11  }
0x11: {  	v0 =	vimm.bf16 $0.0e+00;
	v1 =	vimm.f32 $0.0e+00;
	v2 =	vimm.f32 $1.000000000e+00;
	s13 =	sadd.s32 $0x28A00, s1;
	s1 =	simm.s32 $0x230;
	s12 =	sadd.s32 $0x32A00, s12  }
.LBB2_1:
0x12: {  	[tilespmem:s3], [sflag:$0x3] =	stream.linear.gather [hbm4b:s5+s3], $0x2710, $0x38;
	[tilespmem:$0x1D620] =	vst v63  }
0x13: {  	_ =	swait.ge [sflag:s15], $0x2710  }
0x14: {  	[sflag:s15] =	ssyncset.done $0x0  }
0x15: {  	[sflag:s15] =	ssyncadd.s32 $0xFFFFD8F0  }
0x16: {  	[tilespmem:s16], [sflag:$0x3] =	stream.linear.gather [hbm4b:s6+s3], $0x2710, $0x38;
	[tilespmem:$0x1D620] =	vst v63  }
0x17: {  	_ =	swait.ge [sflag:s15], $0x2710  }
0x18: {  	[sflag:s15] =	ssyncset.done $0x0  }
0x19: {  	s24 =	simm.s32 $0x0;
	[sflag:s15] =	ssyncadd.s32 $0xFFFFD8F0  }
.LBB2_2:
0x1a: {  	p0 =	sne.s32 s24, $0x7F00  }
.Ltmp0:
0x1b: {  	s25 =	sshra.s32 s24, $0x2;
	(pc) =	sbr.rel @p0 .LBB2_2-.Ltmp0, $4  }
0x1c: {  	[tilespmem:s25+$0xEE20] =	vst v0  }
0x1d: {  	[tilespmem:s25+$0xEE30] =	vst v0  }
0x1e: {  	[tilespmem:s25+$0xEE40] =	vst v0  }
0x1f: {  	s24 =	sadd.s32 $0x100, s24;
	[tilespmem:s25+$0xEE50] =	vst v0  }
0x20: {  	s24 =	simm.s32 $0x40;
	s25 =	simm.s32 $0x0  }
.LBB2_4:
0x21: {  	p0 =	sne.s32 s24, $0x9FC0;
	[tilespmem:s25+$0x10E20] =	vst v1;
	s25 =	smov.u32 s24;
	s24 =	sadd.s32 $0x40, s24  }
.Ltmp1:
0x22: {  	(pc) =	sbr.rel @p0 .LBB2_4-.Ltmp1, $2  }
0x23: {  	_ =	sdelay $0x2  }
0x24: {  	s25 =	sshra.s32 s25, $0x2  }
0x25: {  	[tilespmem:s25+$0x10E20] =	vst v1  }
0x26: {  	[spmem:s7] =	stream.linear.scatter [tilespmem:s17], [sflag:$0x3], $0x2000, $0x38;
	[tilespmem:$0x1D620] =	vst v63  }
0x27: {  	_ =	swait.ge [sflag:s15], $0x2000  }
0x28: {  	[sflag:s15] =	ssyncset.done $0x0  }
0x29: {  	[sflag:s15] =	ssyncadd.s32 $0xFFFFE000  }
0x2a: {  	[spmem:s8] =	stream.linear.scatter [tilespmem:s17], [sflag:$0x3], $0x2000, $0x38;
	[tilespmem:$0x1D620] =	vst v63  }
0x2b: {  	_ =	swait.ge [sflag:s15], $0x2000  }
0x2c: {  	[sflag:s15] =	ssyncset.done $0x0  }
0x2d: {  	[sflag:s15] =	ssyncadd.s32 $0xFFFFE000  }
0x2e: {  	[spmem:s9] =	stream.linear.scatter [tilespmem:s17], [sflag:$0x3], $0x2000, $0x38;
	[tilespmem:$0x1D620] =	vst v63  }
0x2f: {  	_ =	swait.ge [sflag:s15], $0x2000  }
0x30: {  	[sflag:s15] =	ssyncset.done $0x0  }
0x31: {  	[sflag:s15] =	ssyncadd.s32 $0xFFFFE000  }
0x32: {  	[spmem:s10] =	stream.linear.scatter [tilespmem:s17], [sflag:$0x3], $0x2000, $0x38;
	[tilespmem:$0x1D620] =	vst v63  }
0x33: {  	_ =	swait.ge [sflag:s15], $0x2000  }
0x34: {  	[sflag:s15] =	ssyncset.done $0x0  }
0x35: {  	[sflag:s15] =	ssyncadd.s32 $0xFFFFE000  }
0x36: {  	[spmem:s11] =	stream.linear.scatter [tilespmem:s17], [sflag:$0x3], $0x2000, $0x38;
	[tilespmem:$0x1D620] =	vst v63  }
0x37: {  	_ =	swait.ge [sflag:s15], $0x2000  }
0x38: {  	[sflag:s15] =	ssyncset.done $0x0  }
0x39: {  	[sflag:s15] =	ssyncadd.s32 $0xFFFFE000  }
0x3a: {  	[bflag:$0x0] =	sbarrier.arrive $0xFFFF  }
0x3b: {  	[tilespmem:s19], [sflag:$0x1] =	stream.indirect.gather [hbm4b:s4+s18], $0x40, s3, s18, $0xb8;
	[tilespmem:$0x1D620] =	vst v63  }
0x3c: {  	s24 =	simm.s32 $0x6220  }
0x3d: {  	[tilespmem:s24], [sflag:$0x1] =	stream.indirect.gather [hbm4b:s4+s18], $0x40, s18, s18, $0xb8;
	[tilespmem:$0x1D620] =	vst v63  }
0x3e: {  	s25 =	simm.s32 $0xA0;
	s26 =	simm.s32 $0x7620  }
0x3f: {  	[tilespmem:s26], [sflag:$0x1] =	stream.indirect.gather [hbm4b:s4+s18], $0x40, s25, s18, $0xb8;
	[tilespmem:$0x1D620] =	vst v63  }
0x40: {  	s28 =	simm.s32 $0xF0;
	s29 =	simm.s32 $0x8A20  }
0x41: {  	[tilespmem:s29], [sflag:$0x1] =	stream.indirect.gather [hbm4b:s4+s18], $0x40, s28, s18, $0xb8;
	[tilespmem:$0x1D620] =	vst v63  }
0x42: {  	s25 =	simm.s32 $0x140;
	s26 =	simm.s32 $0x9E20  }
0x43: {  	[tilespmem:s26], [sflag:$0x1] =	stream.indirect.gather [hbm4b:s4+s18], $0x40, s25, s18, $0xb8;
	[tilespmem:$0x1D620] =	vst v63  }
0x44: {  	s28 =	simm.s32 $0x190;
	s29 =	simm.s32 $0xB220  }
0x45: {  	[tilespmem:s29], [sflag:$0x1] =	stream.indirect.gather [hbm4b:s4+s18], $0x40, s28, s18, $0xb8;
	[tilespmem:$0x1D620] =	vst v63  }
0x46: {  	_ = 	snop  }
0x47: {  	[tilespmem:s31], [sflag:$0x1] =	stream.indirect.gather [hbm4b:s4+s18], $0x40, s30, s18, $0xb8;
	[tilespmem:$0x1D620] =	vst v63  }
0x48: {  	_ = 	snop  }
0x49: {  	[tilespmem:s0], [sflag:$0x1] =	stream.indirect.gather [hbm4b:s4+s18], $0x40, s1, s18, $0xb8;
	[tilespmem:$0x1D620] =	vst v63  }
0x4a: {  	_ =	swait.ge [sflag:s20], $0x1400  }
0x4b: {  	[sflag:s20] =	ssyncset.done $0x0  }
0x4c: {  	[sflag:s20] =	ssyncadd.s32 $0xFFFFEC00  }
0x4d: {  	[spmem:s2] =	stream.indirect.scatter.add.bf16 [tilespmem:s19], [sflag:$0x2], $0x40, s16, s18, $0xb8;
	[tilespmem:$0x1D620] =	vst v63  }
0x4e: {  	v3 =	vld [tilespmem:$0x2710];
	_ =	sdelay $0x7  }
0x4f: {  	[tilespmem:v3+s21+$0x0] =	vst.idx.add.f32.msk $0xffff, v2  }
0x50: {  	v3 =	vld [tilespmem:$0x2720];
	_ =	sdelay $0x7  }
0x51: {  	[tilespmem:v3+s21+$0x0] =	vst.idx.add.f32.msk $0xffff, v2  }
0x52: {  	v3 =	vld [tilespmem:$0x2730];
	_ =	sdelay $0x7  }
0x53: {  	[tilespmem:v3+s21+$0x0] =	vst.idx.add.f32.msk $0xffff, v2  }
0x54: {  	v3 =	vld [tilespmem:$0x2740];
	_ =	sdelay $0x7  }
0x55: {  	[tilespmem:v3+s21+$0x0] =	vst.idx.add.f32.msk $0xffff, v2  }
0x56: {  	v3 =	vld [tilespmem:$0x2750];
	_ =	sdelay $0x7  }
0x57: {  	s24 =	simm.s32 $0x8;
	s25 =	simm.s32 $0x280;
	s26 =	simm.s32 $0x2760;
	[tilespmem:v3+s21+$0x0] =	vst.idx.add.f32.msk $0xffff, v2  }
.LBB2_6:
0x58: {  	s28 =	sadd.s32 $0xFFFFFFF9, s24  }
0x59: {  	s29 =	sand.u32 $0x7, s28  }
0x5a: {  	s29 =	smul.u32 $0x5000, s29  }
0x5b: {  	_ =	swait.ge [sflag:s20], $0x1400  }
0x5c: {  	[sflag:s20] =	ssyncset.done $0x0;
	s29 =	sshrl.u32 s29, $0x2  }
0x5d: {  	[sflag:s20] =	ssyncadd.s32 $0xFFFFEC00;
	s29 =	sadd.s32 $0x4E20, s29  }
0x5e: {  	[spmem:s2] =	stream.indirect.scatter.add.bf16 [tilespmem:s29], [sflag:$0x2], $0x40, s26, s18, $0xb8;
	[tilespmem:$0x1D620] =	vst v63  }
0x5f: {  	v3 =	vld [tilespmem:s26+$0x0];
	_ =	sdelay $0x7  }
0x60: {  	[tilespmem:v3+s21+$0x0] =	vst.idx.add.f32.msk $0xffff, v2  }
0x61: {  	v3 =	vld [tilespmem:s26+$0x10];
	_ =	sdelay $0x7  }
0x62: {  	[tilespmem:v3+s21+$0x0] =	vst.idx.add.f32.msk $0xffff, v2  }
0x63: {  	v3 =	vld [tilespmem:s26+$0x20];
	_ =	sdelay $0x7  }
0x64: {  	[tilespmem:v3+s21+$0x0] =	vst.idx.add.f32.msk $0xffff, v2  }
0x65: {  	v3 =	vld [tilespmem:s26+$0x30];
	_ =	sdelay $0x7  }
0x66: {  	[tilespmem:v3+s21+$0x0] =	vst.idx.add.f32.msk $0xffff, v2  }
0x67: {  	v3 =	vld [tilespmem:s26+$0x40];
	_ =	sdelay $0x5  }
0x68: {  	p0 =	sgt.u32 s28, $0x75  }
0x69: {  	s28 =	sand.u32 @!p0 $0x7, s24  }
0x6a: {  	s28 =	smul.u32 @!p0 $0x5000, s28;
	[tilespmem:v3+s21+$0x0] =	vst.idx.add.f32.msk $0xffff, v2  }
0x6b: {  	_ =	swait.ge [sflag:s22], $0x1400  }
0x6c: {  	s24 =	sadd.s32 $0x1, s24;
	s28 =	sshrl.u32 @!p0 s28, $0x2;
	[sflag:s22] =	ssyncset.done $0x0  }
0x6d: {  	s28 =	sadd.s32 @!p0 $0x4E20, s28;
	s29 =	simm.s32 @!p0 $0x50;
	[sflag:s22] =	ssyncadd.s32 $0xFFFFEC00  }
0x6e: {  	[tilespmem:s28], [sflag:$0x1] =	stream.indirect.gather @!p0 [hbm4b:s4+s29], $0x40, s25, s29, $0xb8;
	[tilespmem:$0x1D620] =	vst v63  }
0x6f: {  	p0 =	sne.s32 s24, $0x84  }
.Ltmp2:
0x70: {  	_ = 	snop;
	(pc) =	sbr.rel @p0 .LBB2_6-.Ltmp2, $2  }
0x71: {  	_ =	sdelay $0x2  }
0x72: {  	s26 =	sadd.s32 $0x50, s26;
	s25 =	sadd.s32 $0x50, s25  }
0x73: {  	_ =	swait.ge [sflag:s22], $0x1400  }
0x74: {  	s24 =	stileid.u32;
	[sflag:s22] =	ssyncset.done $0x0  }
0x75: {  	s24 =	sshll.u32 s24, $0x6;
	[sflag:s22] =	ssyncadd.s32 $0xFFFFEC00  }
0x76: {  	s25 =	sshrl.u32 s7, $0x3;
	s24 =	sor.u32 $0x1C03, s24;
	[bflag:$0x0] =	sbarrier.arrive $0xFFFF  }
0x77: {  	[hbm:s12], [sflag:s24] =	dma.local [spmem:s25], $0x1400  }
0x78: {  	s23 =	sadd.s32 $0x1, s23;
	_ =	swait.ge [sflag:s15], $0x1400  }
0x79: {  	p0 =	sne.s32 s23, s14;
	[sflag:s15] =	ssyncset.done $0x0  }
.Ltmp3:
0x7a: {  	[sflag:s15] =	ssyncadd.s32 $0xFFFFEC00;
	(pc) =	sbr.rel @p0 .LBB2_1-.Ltmp3, $4  }
0x7b: {  	[hbm4b:s13+s3] =	stream.linear.scatter [tilespmem:s21], [sflag:$0x3], $0x2800, $0x38;
	[tilespmem:$0x1D620] =	vst v63  }
0x7c: {  	_ =	swait.ge [sflag:s15], $0x2800  }
0x7d: {  	[sflag:s15] =	ssyncset.done $0x0  }
0x7e: {  	[sflag:s15] =	ssyncadd.s32 $0xFFFFD800  }
0x7f: {  	_ =	sfence.sel $0x180000  }
0x80: {  	[bflag:$0x0] =	sbarrier.arrive $0xFFFF  }
0x81: {  	_ =	strace $0x90000047  }
0x82: {  	s0 =	stileid.u32;
	[bflag:$0x2] =	sbarrier.arrive $0xFFFF  }
0x83: {  	p0 =	sne.s32 s0, $0x0;
	s0 =	rddreg [dreg:$0x2]  }
0x84: {  	s0 =	sadd.s32 @!p0 $0x100000, s0  }
0x85: {  	[sflag:s0] =	ssyncadd.tile.s32 @!p0 $0x1;
	_ =	shalt  }
.Lfunc_end2:
_tile_overlayer_lowered:
.L_overlay_start_2:
0x86: {  	(tag) =	ssettag $0x2  }
0x87: {  	s0 =	rddreg [dreg:$0x0];
	s2 =	stileid.u32  }
0x88: {  	s1 =	rddreg [dreg:$0x1];
	p0 =	sne.s32 s2, $0x0  }
0x89: {  	s3 =	rddreg [dreg:$0x2];
	[bflag:$0x3] =	sbarrier.arrive $0xFFFF;
	s2 =	simm.s32 @!p0 $0x1C03  }
0x8a: {  	[timem:s3], [sflag:s2] =	dma.local @!p0 [hbm:s0], s1  }
0x8b: {  	s0 =	simm.s32 @!p0 $0x3  }
0x8c: {  	_ =	swait.ge @!p0 [sflag:s0], s1  }
0x8d: {  	s1 =	ssub.s32 @!p0 $0x0, s1;
	[sflag:s0] =	ssyncset.done @!p0 $0x0  }
0x8e: {  	[sflag:s0] =	ssyncadd.s32 @!p0 s1  }
0x8f: {  	[bflag:$0x3] =	sbarrier.arrive $0xFFFF  }
0x90: {  	_ =	shalt  }

// kernel: kernel.9.cloned.1.call-start
scs
__scs_entry_jumppad:
0x0: {  	(pc) =	sbr.rel $0x88, $3  }
0x1: {  	(tag) =	ssettag $0x0;
	lr =	simm.s32 $0x1  }
0x2: {  	[smem:$0x3F97] =	sst lr;
	_ =	strace $0xD0000000  }
0x3: {  	_ = 	snop  }
0x4: {  	_ = 	snop  }
0x5: {  	_ = 	snop  }
0x6: {  	_ = 	snop  }
0x7: {  	_ = 	snop  }
__scs_overlays_trampoline_lowered:
0x8: {  	[smem:$0x3FA6] =	sst s0  }
0x9: {  	[smem:$0x3FA7] =	sst s1  }
0xa: {  	[smem:$0x3FA8] =	sst s2  }
0xb: {  	[smem:$0x3FA9] =	sst s3  }
0xc: {  	[smem:$0x3FAA] =	sst s4  }
0xd: {  	[smem:$0x3FAB] =	sst s5  }
0xe: {  	[smem:$0x3FAC] =	sst s6  }
0xf: {  	[smem:$0x3FAD] =	sst s7  }
0x10: {  	[smem:$0x3FAE] =	sst s8  }
0x11: {  	[smem:$0x3FAF] =	sst s9;
	s0 =	simm.s32 @!p0 $0x0  }
0x12: {  	s1 =	sld [smem:$0x3F95];
	s0 =	simm.s32 @p0 $0x1  }
0x13: {  	[smem:$0x3FB0] =	sst s0;
	s0 =	simm.s32 @!p1 $0x0  }
0x14: {  	s2 =	sld [smem:$0x3F94];
	s0 =	simm.s32 @p1 $0x1  }
0x15: {  	[smem:$0x3FB1] =	sst s0;
	s0 =	simm.s32 @!p2 $0x0  }
0x16: {  	s3 =	sld [smem:$0x3FDB];
	s0 =	simm.s32 @p2 $0x1  }
0x17: {  	s4 =	simm.s32 $0x1BF5;
	[smem:$0x3FB3] =	sst s0  }
0x18: {  	s0 =	sld [smem:$0x3F96];
	_ =	swait.ge [sflag:s4], $0x0  }
0x19: {  	s7 =	sld [smem:$0x3F97]  }
0x1a: {  	s8 =	sadd.s32 $0xFFFFE003, lr  }
0x1b: {  	s9 =	sadd.s32 $0xFFFFFEF7, lr;
	s5 =	simm.s32 $0xFFFFFFFF;
	p2 =	slt.u32 s8, $0xFFFFF086  }
0x1c: {  	p1 =	slt.u32 s9, $0xF7A;
	s5 =	simm.s32 @!p2 $0x0  }
0x1d: {  	s5 =	simm.s32 @p1 $0x1;
	p0 =	seq.s32 s7, s2  }
0x1e: {  	s7 =	smul.u32 @!p0 $0xF7A, s2;
	p2 =	seq.s32 @!p0 s5, $0x0  }
0x1f: {  	s9 =	smul.u32 $0xF7A, s1;
	s8 =	simm.s32 @!p0 $0x1BF5;
	p2 =	por !p2, p0  }
0x20: {  	[sflag:s8] =	ssyncset.s32 @!p0 $0xFFFFF086;
	s6 =	sadd.s32 @!p0 s3, s7;
	s7 =	simm.s32 @!p0 $0x108  }
0x21: {  	s3 =	sadd.s32 s3, s9;
	s6 =	sadd.s32 @!p0 $0x88, s6;
	s7 =	simm.s32 @p2 $0x1082  }
0x22: {  	[simem:s7], [sflag:s8] =	dma.local @!p0 [hbm:s6], $0xF7A  }
0x23: {  	s9 =	sor.u32 $0xD0000000, s2;
	s6 =	simm.s32 $0x108;
	_ =	swait.ge @!p0 [sflag:s8], $0x0  }
0x24: {  	s3 =	sadd.s32 $0x88, s3;
	s6 =	simm.s32 @!p1 $0x1082;
	[sflag:s4] =	ssyncset.s32 $0xFFFFF086  }
0x25: {  	[simem:s6], [sflag:s4] =	dma.local [hbm:s3], $0xF7A  }
0x26: {  	[smem:$0x3F97] =	sst s1;
	(tag) =	ssettag s2;
	_ =	strace s9  }
0x27: {  	s1 =	sld [smem:$0x3FA7]  }
0x28: {  	s2 =	sld [smem:$0x3FA8]  }
0x29: {  	s4 =	sld [smem:$0x3FAA]  }
0x2a: {  	p0 =	seq.s32 s5, $0x0;
	s5 =	sld [smem:$0x3FAB]  }
0x2b: {  	s6 =	sld [smem:$0x3FAC]  }
0x2c: {  	s7 =	sld [smem:$0x3FAD]  }
0x2d: {  	s3 =	simm.s32 $0x108;
	s8 =	sld [smem:$0x3FAE]  }
0x2e: {  	s3 =	simm.s32 @!p0 $0x1082;
	s9 =	sld [smem:$0x3FAF]  }
0x2f: {  	lr =	sadd.s32 s0, s3;
	s0 =	sld [smem:$0x3FA6]  }
0x30: {  	s3 =	sld [smem:$0x3FA9]  }
0x31: {  	[smem:$0x3FB2] =	sst s10  }
0x32: {  	s10 =	sld [smem:$0x3FB0];
	_ =	sdelay $0x3  }
0x33: {  	p0 =	seq.s32 s10, $0x1;
	s10 =	sld [smem:$0x3FB2];
	_ =	sdelay $0x3  }
0x34: {  	[smem:$0x3FB2] =	sst s10  }
0x35: {  	s10 =	sld [smem:$0x3FB1];
	_ =	sdelay $0x3  }
0x36: {  	p1 =	seq.s32 s10, $0x1;
	s10 =	sld [smem:$0x3FB2];
	_ =	sdelay $0x3  }
0x37: {  	[smem:$0x3FB2] =	sst s10  }
0x38: {  	s10 =	sld [smem:$0x3FB3]  }
0x39: {  	_ = 	snop;
	(pc) =	sbr.ind lr, $3  }
0x3a: {  	_ = 	snop  }
0x3b: {  	_ = 	snop  }
0x3c: {  	p2 =	seq.s32 s10, $0x1;
	s10 =	sld [smem:$0x3FB2]  }
0x3d: {  	_ =	shalt  }
0x3e: {  	_ =	shalt  }
0x3f: {  	_ =	shalt  }
0x40: {  	_ =	shalt  }
0x41: {  	_ =	shalt  }
0x42: {  	_ =	shalt  }
0x43: {  	_ =	shalt  }
0x44: {  	_ =	shalt  }
0x45: {  	_ =	shalt  }
0x46: {  	_ =	shalt  }
0x47: {  	_ =	shalt  }
0x48: {  	_ =	shalt  }
0x49: {  	_ =	shalt  }
0x4a: {  	_ =	shalt  }
0x4b: {  	_ =	shalt  }
0x4c: {  	_ =	shalt  }
0x4d: {  	_ =	shalt  }
0x4e: {  	_ =	shalt  }
0x4f: {  	_ =	shalt  }
0x50: {  	_ =	shalt  }
0x51: {  	_ =	shalt  }
0x52: {  	_ =	shalt  }
0x53: {  	_ =	shalt  }
0x54: {  	_ =	shalt  }
0x55: {  	_ =	shalt  }
0x56: {  	_ =	shalt  }
0x57: {  	_ =	shalt  }
0x58: {  	_ =	shalt  }
0x59: {  	_ =	shalt  }
0x5a: {  	_ =	shalt  }
0x5b: {  	_ =	shalt  }
0x5c: {  	_ =	shalt  }
0x5d: {  	_ =	shalt  }
0x5e: {  	_ =	shalt  }
0x5f: {  	_ =	shalt  }
0x60: {  	_ =	shalt  }
0x61: {  	_ =	shalt  }
0x62: {  	_ =	shalt  }
0x63: {  	_ =	shalt  }
0x64: {  	_ =	shalt  }
0x65: {  	_ =	shalt  }
0x66: {  	_ =	shalt  }
0x67: {  	_ =	shalt  }
0x68: {  	_ =	shalt  }
0x69: {  	_ =	shalt  }
0x6a: {  	_ =	shalt  }
0x6b: {  	_ =	shalt  }
0x6c: {  	_ =	shalt  }
0x6d: {  	_ =	shalt  }
0x6e: {  	_ =	shalt  }
0x6f: {  	_ =	shalt  }
0x70: {  	_ =	shalt  }
0x71: {  	_ =	shalt  }
0x72: {  	_ =	shalt  }
0x73: {  	_ =	shalt  }
0x74: {  	_ =	shalt  }
0x75: {  	_ =	shalt  }
0x76: {  	_ =	shalt  }
0x77: {  	_ =	shalt  }
0x78: {  	_ =	shalt  }
0x79: {  	_ =	shalt  }
0x7a: {  	_ =	shalt  }
0x7b: {  	_ =	shalt  }
0x7c: {  	_ =	shalt  }
0x7d: {  	_ =	shalt  }
0x7e: {  	_ =	shalt  }
0x7f: {  	_ =	shalt  }
0x80: {  	_ =	shalt  }
0x81: {  	_ =	shalt  }
0x82: {  	_ =	shalt  }
0x83: {  	_ =	shalt  }
0x84: {  	_ =	shalt  }
0x85: {  	_ =	shalt  }
0x86: {  	_ =	shalt  }
0x87: {  	_ =	shalt  }
.Lfunc_end0:
.L_simem_size_0:
called_computation.1_lowered:
.L_overlay_start_0:
0x88: {  	s2 =	sld [smem:$0x3FD9]  }
0x89: {  	s3 =	sld [smem:$0x3FFE];
	_ =	sdelay $0x1  }
0x8a: {  	s1 =	srdreg.scid  }
0x8b: {  	s0 =	sand.u32 $0x1, s1  }
0x8c: {  	s16 =	sshll.u32 s0, $0xA;
	s2 =	sadd.s32 s3, s2  }
0x8d: {  	s2 =	sadd.s32 s2, s16  }
0x8e: {  	[smem:$0x3FBE] =	sst s2  }
0x8f: {  	_ = 	snop  }
0x90: {  	(tm) =	ssettm $0x1  }
0x91: {  	s17 =	sld [smem:$0x3FFB];
	_ =	sdelay $0x3  }
0x92: {  	_ =	strace s17  }
0x93: {  	s2 =	sld [smem:$0x3FFC];
	_ =	sdelay $0x3  }
0x94: {  	_ =	strace s2  }
0x95: {  	s2 =	sld [smem:$0x3FFD];
	_ =	sdelay $0x3  }
0x96: {  	_ =	strace s2  }
0x97: {  	_ =	strace $0x8FFFFFFF  }
0x98: {  	s18 =	sld [smem:$0x3FDB];
	_ =	sdelay $0x1  }
0x99: {  	s19 =	simm.s32 $_scs_section_size  }
0x9a: {  	s4 =	simm.s32 $_size__tile_overlayer_lowered;
	s5 =	simm.s32 $_tile_overlayer_lowered  }
0x9b: {  	s22 =	simm.s32 $0x1BFF;
	s21 =	sshll.u32 s5, $0x1;
	s2 =	sadd.s32 s19, s18  }
0x9c: {  	s6 =	simm.s32 $0x0;
	s20 =	sshll.u32 s4, $0x1;
	s4 =	sadd.s32 s21, s2  }
0x9d: {  	[timem:s6], [sflag:s22] =	dma.local [hbm:s4], s20  }
0x9e: {  	_ =	swait.ge [sflag:s22], s20  }
0x9f: {  	s3 =	ssub.s32 $0x0, s20;
	[sflag:s22] =	ssyncset.done $0x0  }
0xa0: {  	[sflag:s22] =	ssyncadd.s32 s3;
	_ =	sdelay $0x1  }
0xa1: {  	s23 =	simm.s32 $0x1B8B  }
0xa2: {  	_ =	swait.ge [sflag:s23], $0x1  }
0xa3: {  	[sflag:s23] =	ssyncset.done $0x0  }
0xa4: {  	s25 =	simm.s32 $0x1B8E;
	s24 =	sld [smem:$0x3FFE];
	[sflag:s23] =	ssyncadd.s32 $0xFFFFFFFF  }
0xa5: {  	s26 =	simm.s32 $execute0_lowered;
	[smem:$0x3FD2] =	sst s25  }
0xa6: {  	s4 =	sshll.u32 s26, $0x1;
	_ =	strace $0x80000049;
	[dreg:$0x1] =	wrdreg $0xFFFFFFFF  }
0xa7: {  	s28 =	simm.s32 $_size_execute0_lowered;
	s2 =	sadd.s32 s2, s4;
	[dreg:$0x0] =	wrdreg $0x0  }
0xa8: {  	s4 =	sshll.u32 s28, $0x1;
	[dreg:$0x2] =	wrdreg s2  }
0xa9: {  	[dreg:$0x3] =	wrdreg s4  }
0xaa: {  	[dreg:$0x4] =	wrdreg $0xC0  }
0xab: {  	_ =	task [dreg:s6], $0x5FFFF  }
0xac: {  	[dreg:$0x1] =	wrdreg $0xFFFFFFFF  }
0xad: {  	[dreg:$0x0] =	wrdreg $0x60  }
0xae: {  	[dreg:$0x2] =	wrdreg s24  }
0xaf: {  	[dreg:$0x3] =	wrdreg $0x10E200  }
0xb0: {  	[dreg:$0x4] =	wrdreg $0x9  }
0xb1: {  	_ =	task.clear_ibuf [dreg:s6], $0x5FFFF;
	_ =	strace $0x90000049  }
0xb2: {  	s29 =	simm.s32 $0x9;
	_ =	strace $0x8000004B  }
0xb3: {  	_ =	swait.ge [sflag:s29], $0x1  }
0xb4: {  	[sflag:s29] =	ssyncadd.s32 $0xFFFFFFFF  }
0xb5: {  	_ =	strace $0x9000004B  }
0xb6: {  	_ =	sfence  }
0xb7: {  	s30 =	sld [smem:$0x0];
	_ =	sdelay $0x2  }
0xb8: {  	s31 =	sshll.u32 s1, $0xD;
	s1 =	sshrl.u32 s1, $0x2  }
0xb9: {  	s3 =	sand.u32 $0x4000, s31;
	s1 =	sadd.s32 s1, s30  }
0xba: {  	s0 =	sor.u32 s3, s0;
	s1 =	sshll.u32 s1, $0x11  }
0xbb: {  	s0 =	sor.u32 s1, s0  }
0xbc: {  	s0 =	sadd.s32 $0x8F2B, s0  }
0xbd: {  	[sflag:s0] =	ssyncadd.remote.s32 $0x1  }
0xbe: {  	_ =	sfence.sel $0xFFFF  }
0xbf: {  	[dreg:$0x0] =	wrdreg $0xFFFFFFFF;
	(pc) =	sbr.abs _section_cstart, $3  }
0xc0: {  	[dreg:$0x1] =	wrdreg $0xFFFFFFFF  }
0xc1: {  	_ =	task.clear_ibuf [dreg:s6], $0x2FFFF;
	_ =	strace $0x9FFFFFFF  }
0xc2: {  	(tm) =	ssettm $0x7FFFFFFF  }
0xc3: {  	_ =	shalt  }
tec
execute0_lowered:
.L_overlay_start_1:
0x0: {  	(tag) =	ssettag $0x1  }
0x1: {  	s0 =	rddreg [dreg:$0x0]  }
0x2: {  	s2 =	rddreg [dreg:$0x1];
	s1 =	srdreg.scid  }
0x3: {  	s9 =	stileid.u32;
	s3 =	simm.s32 $0x0;
	s14 =	simm.s32 $0x3  }
0x4: {  	s15 =	simm.s32 $0x2710;
	s16 =	simm.s32 $0xEE20;
	s17 =	simm.s32 $0x50  }
0x5: {  	s18 =	simm.s32 $0x4E20;
	s30 =	simm.s32 $0xC620;
	s31 =	simm.s32 $0x230  }
0x6: {  	s19 =	simm.s32 $0x2;
	s20 =	simm.s32 $0x0;
	s6 =	smul.u32 $0x14000, s9  }
0x7: {  	s1 =	sand.u32 $0x1, s1;
	s5 =	sshll.u32 s9, $0x1;
	s9 =	smul.u32 $0x28000, s9  }
0x8: {  	[smem:$0x7FF] =	sst s3;
	s4 =	sadd.s32 $0x15000, s0;
	s7 =	smul.u32 $0x140000, s1  }
0x9: {  	_ =	strace $0x8000004A;
	s5 =	sor.u32 s1, s5;
	s1 =	ssub.s32 $0x2, s1  }
0xa: {  	s5 =	smul.u32 $0x4E2, s5;
	s8 =	sshrl.u32 s1, $0x1;
	s28 =	sshrl.u32 s6, $0x1  }
0xb: {  	s29 =	sshrl.u32 s9, $0x2;
	s7 =	sadd.s32 s6, s7;
	s1 =	ssub.s32 s1, s8  }
0xc: {  	s11 =	sadd.s32 s29, s2;
	s7 =	sshrl.u32 s7, $0x4;
	s10 =	sadd.s32 s5, s0  }
0xd: {  	s8 =	sadd.s32 $0x2000, s11;
	s9 =	sadd.s32 $0x4000, s11;
	s13 =	smax.u32 s1, $0x1  }
0xe: {  	s1 =	simm.s32 $0x1;
	s0 =	sadd.s32 s7, s0;
	s5 =	sadd.s32 $0xB200, s10  }
0xf: {  	s6 =	sadd.s32 $0x1400, s10;
	s7 =	sadd.s32 s28, s2;
	s10 =	sadd.s32 $0x6000, s11  }
0x10: {  	v0 =	vimm.bf16 $0.0e+00;
	s11 =	sadd.s32 $0x8000, s11;
	s12 =	sadd.s32 $0x28A00, s0;
	s0 =	simm.s32 $0xDA20  }
.LBB2_1:
0x11: {  	[tilespmem:s3], [sflag:$0x3] =	stream.linear.gather [hbm4b:s5+s3], $0x2710, $0x38;
	[tilespmem:$0x1AE20] =	vst v63  }
0x12: {  	_ =	swait.ge [sflag:s14], $0x2710  }
0x13: {  	[sflag:s14] =	ssyncset.done $0x0  }
0x14: {  	[sflag:s14] =	ssyncadd.s32 $0xFFFFD8F0  }
0x15: {  	[tilespmem:s15], [sflag:$0x3] =	stream.linear.gather [hbm4b:s6+s3], $0x2710, $0x38;
	[tilespmem:$0x1AE20] =	vst v63  }
0x16: {  	_ =	swait.ge [sflag:s14], $0x2710  }
0x17: {  	[sflag:s14] =	ssyncset.done $0x0  }
0x18: {  	s22 =	simm.s32 $0x100;
	s21 =	simm.s32 $0x0;
	[sflag:s14] =	ssyncadd.s32 $0xFFFFD8F0  }
.LBB2_2:
0x19: {  	p0 =	sne.s32 s22, $0x7F00;
	[tilespmem:s21+$0xEE50] =	vst v0;
	s23 =	smov.u32 s22;
	s22 =	sadd.s32 $0x100, s22  }
.Ltmp0:
0x1a: {  	[tilespmem:s21+$0xEE40] =	vst v0;
	(pc) =	sbr.rel @p0 .LBB2_2-.Ltmp0, $3  }
0x1b: {  	[tilespmem:s21+$0xEE20] =	vst v0  }
0x1c: {  	[tilespmem:s21+$0xEE30] =	vst v0;
	_ =	sdelay $0x1  }
0x1d: {  	s21 =	sshra.s32 s23, $0x2  }
0x1e: {  	[tilespmem:s21+$0xEE50] =	vst v0  }
0x1f: {  	[tilespmem:s21+$0xEE40] =	vst v0  }
0x20: {  	[tilespmem:s21+$0xEE20] =	vst v0  }
0x21: {  	[tilespmem:s21+$0xEE30] =	vst v0  }
0x22: {  	[spmem:s7] =	stream.linear.scatter [tilespmem:s16], [sflag:$0x3], $0x2000, $0x38;
	[tilespmem:$0x1AE20] =	vst v63  }
0x23: {  	_ =	swait.ge [sflag:s14], $0x2000  }
0x24: {  	[sflag:s14] =	ssyncset.done $0x0  }
0x25: {  	[sflag:s14] =	ssyncadd.s32 $0xFFFFE000  }
0x26: {  	[spmem:s8] =	stream.linear.scatter [tilespmem:s16], [sflag:$0x3], $0x2000, $0x38;
	[tilespmem:$0x1AE20] =	vst v63  }
0x27: {  	_ =	swait.ge [sflag:s14], $0x2000  }
0x28: {  	[sflag:s14] =	ssyncset.done $0x0  }
0x29: {  	[sflag:s14] =	ssyncadd.s32 $0xFFFFE000  }
0x2a: {  	[spmem:s9] =	stream.linear.scatter [tilespmem:s16], [sflag:$0x3], $0x2000, $0x38;
	[tilespmem:$0x1AE20] =	vst v63  }
0x2b: {  	_ =	swait.ge [sflag:s14], $0x2000  }
0x2c: {  	[sflag:s14] =	ssyncset.done $0x0  }
0x2d: {  	[sflag:s14] =	ssyncadd.s32 $0xFFFFE000  }
0x2e: {  	[spmem:s10] =	stream.linear.scatter [tilespmem:s16], [sflag:$0x3], $0x2000, $0x38;
	[tilespmem:$0x1AE20] =	vst v63  }
0x2f: {  	_ =	swait.ge [sflag:s14], $0x2000  }
0x30: {  	[sflag:s14] =	ssyncset.done $0x0  }
0x31: {  	[sflag:s14] =	ssyncadd.s32 $0xFFFFE000  }
0x32: {  	[spmem:s11] =	stream.linear.scatter [tilespmem:s16], [sflag:$0x3], $0x2000, $0x38;
	[tilespmem:$0x1AE20] =	vst v63  }
0x33: {  	_ =	swait.ge [sflag:s14], $0x2000  }
0x34: {  	[sflag:s14] =	ssyncset.done $0x0  }
0x35: {  	[sflag:s14] =	ssyncadd.s32 $0xFFFFE000  }
0x36: {  	[bflag:$0x0] =	sbarrier.arrive $0xFFFF  }
0x37: {  	[tilespmem:s18], [sflag:$0x1] =	stream.indirect.gather [hbm4b:s4+s17], $0x40, s3, s17, $0xb8;
	[tilespmem:$0x1AE20] =	vst v63  }
0x38: {  	s25 =	simm.s32 $0x6220  }
0x39: {  	[tilespmem:s25], [sflag:$0x1] =	stream.indirect.gather [hbm4b:s4+s17], $0x40, s17, s17, $0xb8;
	[tilespmem:$0x1AE20] =	vst v63  }
0x3a: {  	s26 =	simm.s32 $0xA0;
	s22 =	simm.s32 $0x7620  }
0x3b: {  	[tilespmem:s22], [sflag:$0x1] =	stream.indirect.gather [hbm4b:s4+s17], $0x40, s26, s17, $0xb8;
	[tilespmem:$0x1AE20] =	vst v63  }
0x3c: {  	s28 =	simm.s32 $0xF0;
	s29 =	simm.s32 $0x8A20  }
0x3d: {  	[tilespmem:s29], [sflag:$0x1] =	stream.indirect.gather [hbm4b:s4+s17], $0x40, s28, s17, $0xb8;
	[tilespmem:$0x1AE20] =	vst v63  }
0x3e: {  	s23 =	simm.s32 $0x140;
	s24 =	simm.s32 $0x9E20  }
0x3f: {  	[tilespmem:s24], [sflag:$0x1] =	stream.indirect.gather [hbm4b:s4+s17], $0x40, s23, s17, $0xb8;
	[tilespmem:$0x1AE20] =	vst v63  }
0x40: {  	s25 =	simm.s32 $0x190;
	s26 =	simm.s32 $0xB220  }
0x41: {  	[tilespmem:s26], [sflag:$0x1] =	stream.indirect.gather [hbm4b:s4+s17], $0x40, s25, s17, $0xb8;
	[tilespmem:$0x1AE20] =	vst v63  }
0x42: {  	s28 =	simm.s32 $0x1E0  }
0x43: {  	[tilespmem:s30], [sflag:$0x1] =	stream.indirect.gather [hbm4b:s4+s17], $0x40, s28, s17, $0xb8;
	[tilespmem:$0x1AE20] =	vst v63  }
0x44: {  	_ = 	snop  }
0x45: {  	[tilespmem:s0], [sflag:$0x1] =	stream.indirect.gather [hbm4b:s4+s17], $0x40, s31, s17, $0xb8;
	[tilespmem:$0x1AE20] =	vst v63  }
0x46: {  	s29 =	simm.s32 $0x1;
	_ =	swait.ge [sflag:s1], $0x1400  }
0x47: {  	s21 =	sand.u32 $0x7, s29;
	[sflag:s1] =	ssyncset.done $0x0  }
0x48: {  	p0 =	por $0x0, $0x0;
	s23 =	smul.u32 $0x5000, s21;
	[sflag:s1] =	ssyncadd.s32 $0xFFFFEC00  }
0x49: {  	[spmem:s2] =	stream.indirect.scatter.add.bf16 [tilespmem:s18], [sflag:$0x2], $0x40, s15, s17, $0xb8;
	[tilespmem:$0x1AE20] =	vst v63  }
0x4a: {  	s22 =	simm.s32 $0x8;
	s24 =	simm.s32 $0x2760;
	_ =	swait.ge [sflag:s1], $0x1400  }
0x4b: {  	s23 =	sshrl.u32 s23, $0x2;
	s25 =	sand.u32 @!p0 $0x7, s22;
	[sflag:s1] =	ssyncset.done $0x0  }
0x4c: {  	s23 =	sadd.s32 $0x4E20, s23;
	s25 =	smul.u32 @!p0 $0x5000, s25;
	[sflag:s1] =	ssyncadd.s32 $0xFFFFEC00  }
0x4d: {  	[spmem:s2] =	stream.indirect.scatter.add.bf16 [tilespmem:s23], [sflag:$0x2], $0x40, s24, s17, $0xb8;
	[tilespmem:$0x1AE20] =	vst v63  }
0x4e: {  	s21 =	simm.s32 $0x280;
	s22 =	simm.s32 $0x9;
	_ =	swait.ge [sflag:s19], $0x1400  }
0x4f: {  	s26 =	sshrl.u32 @!p0 s25, $0x2;
	s25 =	simm.s32 @!p0 $0x50;
	[sflag:s19] =	ssyncset.done $0x0  }
0x50: {  	s23 =	simm.s32 $0x2D0;
	s24 =	simm.s32 $0x27B0;
	[sflag:s19] =	ssyncadd.s32 $0xFFFFEC00  }
.LBB2_4:
0x51: {  	s28 =	sadd.s32 $0xFFFFFFF9, s22  }
0x52: {  	s26 =	sadd.s32 @!p0 $0x4E20, s26;
	s29 =	smov.u32 s22;
	s22 =	sadd.s32 $0x1, s22  }
0x53: {  	[tilespmem:s26], [sflag:$0x1] =	stream.indirect.gather @!p0 [hbm4b:s4+s25], $0x40, s21, s25, $0xb8;
	[tilespmem:$0x1AE20] =	vst v63  }
0x54: {  	s25 =	sand.u32 $0x7, s28;
	p1 =	sne.s32 s22, $0x84;
	s21 =	smov.u32 s23  }
0x55: {  	s25 =	smul.u32 $0x5000, s25  }
0x56: {  	p0 =	sgt.u32 s28, $0x75;
	_ =	swait.ge [sflag:s1], $0x1400  }
0x57: {  	s26 =	sand.u32 @!p0 $0x7, s29;
	s25 =	sshrl.u32 s25, $0x2;
	[sflag:s1] =	ssyncset.done $0x0  }
.Ltmp1:
0x58: {  	s25 =	sadd.s32 $0x4E20, s25;
	[sflag:s1] =	ssyncadd.s32 $0xFFFFEC00;
	(pc) =	sbr.rel @p1 .LBB2_4-.Ltmp1, $4  }
0x59: {  	[spmem:s2] =	stream.indirect.scatter.add.bf16 [tilespmem:s25], [sflag:$0x2], $0x40, s24, s17, $0xb8;
	[tilespmem:$0x1AE20] =	vst v63  }
0x5a: {  	s25 =	smul.u32 @!p0 $0x5000, s26;
	_ =	swait.ge [sflag:s19], $0x1400  }
0x5b: {  	s23 =	sadd.s32 $0x50, s23;
	s24 =	sadd.s32 $0x50, s24;
	[sflag:s19] =	ssyncset.done $0x0  }
0x5c: {  	s26 =	sshrl.u32 @!p0 s25, $0x2;
	s25 =	simm.s32 @!p0 $0x50;
	[sflag:s19] =	ssyncadd.s32 $0xFFFFEC00  }
0x5d: {  	s22 =	sadd.s32 @!p0 $0x4E20, s26  }
0x5e: {  	[tilespmem:s22], [sflag:$0x1] =	stream.indirect.gather @!p0 [hbm4b:s4+s25], $0x40, s21, s25, $0xb8;
	[tilespmem:$0x1AE20] =	vst v63  }
0x5f: {  	s28 =	stileid.u32;
	_ =	swait.ge [sflag:s19], $0x1400  }
0x60: {  	s29 =	sshrl.u32 s7, $0x3;
	s20 =	sadd.s32 $0x1, s20;
	[sflag:s19] =	ssyncset.done $0x0  }
0x61: {  	s21 =	sshll.u32 s28, $0x6;
	p0 =	sne.s32 s20, s13;
	[sflag:s19] =	ssyncadd.s32 $0xFFFFEC00  }
.Ltmp2:
0x62: {  	s21 =	sor.u32 $0x1C03, s21;
	[bflag:$0x0] =	sbarrier.arrive $0xFFFF;
	(pc) =	sbr.rel @p0 .LBB2_1-.Ltmp2, $4  }
0x63: {  	[hbm:s12], [sflag:s21] =	dma.local [spmem:s29], $0x1400  }
0x64: {  	_ =	swait.ge [sflag:s14], $0x1400  }
0x65: {  	[sflag:s14] =	ssyncset.done $0x0  }
0x66: {  	[sflag:s14] =	ssyncadd.s32 $0xFFFFEC00  }
0x67: {  	_ =	sfence.sel $0x180000  }
0x68: {  	[bflag:$0x0] =	sbarrier.arrive $0xFFFF  }
0x69: {  	_ =	strace $0x9000004A  }
0x6a: {  	s0 =	stileid.u32;
	[bflag:$0x2] =	sbarrier.arrive $0xFFFF  }
0x6b: {  	p0 =	sne.s32 s0, $0x0;
	s0 =	rddreg [dreg:$0x2]  }
0x6c: {  	s0 =	sadd.s32 @!p0 $0x100000, s0  }
0x6d: {  	[sflag:s0] =	ssyncadd.tile.s32 @!p0 $0x1;
	_ =	shalt  }
.Lfunc_end2:
_tile_overlayer_lowered:
.L_overlay_start_2:
0x6e: {  	(tag) =	ssettag $0x2  }
0x6f: {  	s0 =	rddreg [dreg:$0x0];
	s2 =	stileid.u32  }
0x70: {  	s1 =	rddreg [dreg:$0x1];
	p0 =	sne.s32 s2, $0x0  }
0x71: {  	s3 =	rddreg [dreg:$0x2];
	[bflag:$0x3] =	sbarrier.arrive $0xFFFF;
	s2 =	simm.s32 @!p0 $0x1C03  }
0x72: {  	[timem:s3], [sflag:s2] =	dma.local @!p0 [hbm:s0], s1  }
0x73: {  	s0 =	simm.s32 @!p0 $0x3  }
0x74: {  	_ =	swait.ge @!p0 [sflag:s0], s1  }
0x75: {  	s1 =	ssub.s32 @!p0 $0x0, s1;
	[sflag:s0] =	ssyncset.done @!p0 $0x0  }
0x76: {  	[sflag:s0] =	ssyncadd.s32 @!p0 s1  }
0x77: {  	[bflag:$0x3] =	sbarrier.arrive $0xFFFF  }
0x78: {  	_ =	shalt  }

</sc_bundles>
